<compile_context>
chip_gen: v7x
topology: tpu7x:2x2x1
jax: 0.10.2.dev20260603
libtpu: 0.0.44.dev20260713+nightly
codegen_flags: <defaults>
</compile_context>

<pallas_src>
import functools

import jax
import jax.numpy as jnp
from jax import lax
from jax.experimental import pallas as pl
from jax.experimental.pallas import tpu as pltpu
from jax.experimental.pallas import tpu_sc as plsc

N = 10000
E = 320000
D = 128
H = 8
C = 16

NC = 2
NS = 16
NW = NC * NS
EPW = E // NW
KB = 80
NBLK = EPW // KB


def _ln(v, w):
    mu = jnp.mean(v, axis=-1, keepdims=True)
    var = jnp.mean((v - mu) ** 2, axis=-1, keepdims=True)
    return (v - mu) / jnp.sqrt(var + 1e-05) * w


def _vmesh():
    return plsc.VectorSubcoreMesh(core_axis_name="c", subcore_axis_name="s")


def _prelude_body(x_ref, ln1_ref, wl_ref, bl_ref, wr_ref, br_ref,
                  xl_ref, xr_ref):
    h1 = _ln(x_ref[...], ln1_ref[...])
    xl_ref[...] = jnp.dot(h1, wl_ref[...],
                          preferred_element_type=jnp.float32) + bl_ref[...]
    xr_ref[...] = jnp.dot(h1, wr_ref[...],
                          preferred_element_type=jnp.float32) + br_ref[...]


def _prelude(x, ln1_w, W_l, b_l, W_r, b_r):
    RB = 1000
    full = lambda s: pl.BlockSpec(s, lambda i: (0,) * len(s))
    return pl.pallas_call(
        _prelude_body,
        grid=(N // RB,),
        in_specs=[
            pl.BlockSpec((RB, D), lambda i: (i, 0)),
            full((D,)), full((D, D)), full((D,)), full((D, D)), full((D,)),
        ],
        out_specs=[pl.BlockSpec((RB, D), lambda i: (i, 0))] * 2,
        out_shape=[jax.ShapeDtypeStruct((N, D), jnp.float32)] * 2,
    )(x, ln1_w, W_l, b_l, W_r, b_r)


def _emat_body(ea_ref, we_ref, e_ref):
    e_ref[...] = jnp.dot(ea_ref[...], we_ref[...],
                         preferred_element_type=jnp.float32)


def _emat(edge_attr, W_e):
    RB = 2000
    return pl.pallas_call(
        _emat_body,
        grid=(E // RB,),
        in_specs=[
            pl.BlockSpec((RB, D), lambda i: (i, 0)),
            pl.BlockSpec((D, D), lambda i: (0, 0)),
        ],
        out_specs=pl.BlockSpec((RB, D), lambda i: (i, 0)),
        out_shape=jax.ShapeDtypeStruct((E, D), jnp.float32),
    )(edge_attr, W_e)


def _scg_body(xl_hbm, xr_hbm, src_hbm, dst_hbm, xlsg_hbm, xrdg_hbm,
              sidx_v, didx_v, bufa_v, bufb_v):
    cid = lax.axis_index("c")
    sid = lax.axis_index("s")
    wid = cid * NS + sid

    def block(b, carry):
        base = wid * EPW + b * KB
        pltpu.sync_copy(src_hbm.at[pl.ds(base, KB)], sidx_v)
        pltpu.sync_copy(dst_hbm.at[pl.ds(base, KB)], didx_v)
        pltpu.sync_copy(xl_hbm.at[sidx_v], bufa_v)
        pltpu.sync_copy(xr_hbm.at[didx_v], bufb_v)
        pltpu.sync_copy(bufa_v, xlsg_hbm.at[pl.ds(base, KB)])
        pltpu.sync_copy(bufb_v, xrdg_hbm.at[pl.ds(base, KB)])
        return carry

    lax.fori_loop(0, NBLK, block, 0)


def _scg(xl, xr, src, dst):
    f = functools.partial(
        pl.kernel,
        out_type=[jax.ShapeDtypeStruct((E, D), jnp.float32)] * 2,
        mesh=_vmesh(),
        scratch_types=[
            pltpu.VMEM((KB,), jnp.int32),
            pltpu.VMEM((KB,), jnp.int32),
            pltpu.VMEM((KB, D), jnp.float32),
            pltpu.VMEM((KB, D), jnp.float32),
        ],
    )(_scg_body)
    return f(xl, xr, src, dst)


def _tc1_body(a_ref, b_ref, e_ref, att_ref, ex_ref):
    m = a_ref[...] + b_ref[...] + e_ref[...]
    m = jnp.where(m > 0, m, 0.2 * m)
    t = m * att_ref[...]
    cols = [jnp.sum(t[:, h * C:(h + 1) * C], axis=1, keepdims=True)
            for h in range(H)]
    ex_ref[...] = jnp.exp(jnp.concatenate(cols, axis=1))


def _tc1(xlsg, xrdg, e, att_row):
    RB = 2000
    return pl.pallas_call(
        _tc1_body,
        grid=(E // RB,),
        in_specs=[
            pl.BlockSpec((RB, D), lambda i: (i, 0)),
            pl.BlockSpec((RB, D), lambda i: (i, 0)),
            pl.BlockSpec((RB, D), lambda i: (i, 0)),
            pl.BlockSpec((1, D), lambda i: (0, 0)),
        ],
        out_specs=pl.BlockSpec((RB, H), lambda i: (i, 0)),
        out_shape=jax.ShapeDtypeStruct((E, H), jnp.float32),
    )(xlsg, xrdg, e, att_row)


def _scd_body(ex_hbm, dst_hbm, z8_hbm, dpart_hbm, didx_v, exv_v, dacc_sp):
    cid = lax.axis_index("c")
    sid = lax.axis_index("s")
    wid = cid * NS + sid

    @pl.when(sid == 0)
    def _():
        pltpu.sync_copy(z8_hbm, dacc_sp)

    plsc.subcore_barrier()

    def block(b, carry):
        base = wid * EPW + b * KB
        pltpu.sync_copy(dst_hbm.at[pl.ds(base, KB)], didx_v)
        pltpu.sync_copy(ex_hbm.at[pl.ds(base, KB)], exv_v)
        pltpu.sync_copy(exv_v, dacc_sp.at[didx_v], add=True)
        return carry

    lax.fori_loop(0, NBLK, block, 0)
    plsc.subcore_barrier()

    @pl.when(sid == 0)
    def _():
        pltpu.sync_copy(dacc_sp, dpart_hbm.at[cid])


def _scd(ex, dst, z8):
    f = functools.partial(
        pl.kernel,
        out_type=jax.ShapeDtypeStruct((NC, N, H), jnp.float32),
        mesh=_vmesh(),
        compiler_params=pltpu.CompilerParams(use_tc_tiling_on_sc=False),
        scratch_types=[
            pltpu.VMEM((KB,), jnp.int32),
            pltpu.VMEM((KB, H), jnp.float32),
            pltpu.VMEM_SHARED((N, H), jnp.float32),
        ],
    )(_scd_body)
    return f(ex, dst, z8)


def _dsum_body(d_ref, o_ref):
    o_ref[...] = d_ref[0] + d_ref[1]


def _dsum(dpart):
    d = dpart.reshape(NC, 625, 128)
    out = pl.pallas_call(
        _dsum_body,
        in_specs=[pl.BlockSpec((NC, 625, 128), lambda: (0, 0, 0))],
        out_specs=pl.BlockSpec((625, 128), lambda: (0, 0)),
        out_shape=jax.ShapeDtypeStruct((625, 128), jnp.float32),
    )(d)
    return out.reshape(N, H)


def _sca_body(den_hbm, dst_hbm, dd_hbm, didx_v, buf_v):
    cid = lax.axis_index("c")
    sid = lax.axis_index("s")
    wid = cid * NS + sid

    def block(b, carry):
        base = wid * EPW + b * KB
        pltpu.sync_copy(dst_hbm.at[pl.ds(base, KB)], didx_v)
        pltpu.sync_copy(den_hbm.at[didx_v], buf_v)
        pltpu.sync_copy(buf_v, dd_hbm.at[pl.ds(base, KB)])
        return carry

    lax.fori_loop(0, NBLK, block, 0)


def _sca(den, dst):
    f = functools.partial(
        pl.kernel,
        out_type=jax.ShapeDtypeStruct((E, H), jnp.float32),
        mesh=_vmesh(),
        compiler_params=pltpu.CompilerParams(use_tc_tiling_on_sc=False),
        scratch_types=[
            pltpu.VMEM((KB,), jnp.int32),
            pltpu.VMEM((KB, H), jnp.float32),
        ],
    )(_sca_body)
    return f(den, dst)


def _tc2_body(xls_ref, ex_ref, dd_ref, msg_ref):
    alpha = ex_ref[...] / (dd_ref[...] + 1e-16)
    xls = xls_ref[...]
    parts = [xls[:, h * C:(h + 1) * C] * alpha[:, h:h + 1] for h in range(H)]
    msg_ref[...] = jnp.concatenate(parts, axis=1)


def _tc2(xlsg, ex, dd):
    RB = 2000
    return pl.pallas_call(
        _tc2_body,
        grid=(E // RB,),
        in_specs=[
            pl.BlockSpec((RB, D), lambda i: (i, 0)),
            pl.BlockSpec((RB, H), lambda i: (i, 0)),
            pl.BlockSpec((RB, H), lambda i: (i, 0)),
        ],
        out_specs=pl.BlockSpec((RB, D), lambda i: (i, 0)),
        out_shape=jax.ShapeDtypeStruct((E, D), jnp.float32),
    )(xlsg, ex, dd)


def _scs_body(msg_hbm, dst_hbm, z128_hbm, opart_hbm,
              didx_v, buf_v, oacc_sp):
    cid = lax.axis_index("c")
    sid = lax.axis_index("s")
    wid = cid * NS + sid

    @pl.when(sid == 0)
    def _():
        pltpu.sync_copy(z128_hbm, oacc_sp)

    plsc.subcore_barrier()

    def block(b, carry):
        base = wid * EPW + b * KB
        pltpu.sync_copy(dst_hbm.at[pl.ds(base, KB)], didx_v)
        pltpu.sync_copy(msg_hbm.at[pl.ds(base, KB)], buf_v)
        pltpu.sync_copy(buf_v, oacc_sp.at[didx_v], add=True)
        return carry

    lax.fori_loop(0, NBLK, block, 0)
    plsc.subcore_barrier()

    @pl.when(sid == 0)
    def _():
        pltpu.sync_copy(oacc_sp, opart_hbm.at[cid])


def _scs(msg, dst, z128):
    f = functools.partial(
        pl.kernel,
        out_type=jax.ShapeDtypeStruct((NC, N, D), jnp.float32),
        mesh=_vmesh(),
        scratch_types=[
            pltpu.VMEM((KB,), jnp.int32),
            pltpu.VMEM((KB, D), jnp.float32),
            pltpu.VMEM_SHARED((N, D), jnp.float32),
        ],
    )(_scs_body)
    return f(msg, dst, z128)


def _final_body(x_ref, o_ref, ba_ref, ln2_ref, wfc_ref, wproj_ref, y_ref):
    gat = o_ref[0] + o_ref[1] + ba_ref[...]
    x1 = x_ref[...] + gat
    h2 = _ln(x1, ln2_ref[...])
    y = jnp.maximum(
        jnp.dot(h2, wfc_ref[...], preferred_element_type=jnp.float32), 0.0)
    y_ref[...] = x1 + jnp.dot(y, wproj_ref[...],
                              preferred_element_type=jnp.float32)


def _final(x, opart, b_attn, ln2_w, W_fc, W_proj):
    RB = 1000
    full = lambda s: pl.BlockSpec(s, lambda i: (0,) * len(s))
    return pl.pallas_call(
        _final_body,
        grid=(N // RB,),
        in_specs=[
            pl.BlockSpec((RB, D), lambda i: (i, 0)),
            pl.BlockSpec((NC, RB, D), lambda i: (0, i, 0)),
            full((D,)), full((D,)), full((D, 4 * D)), full((4 * D, D)),
        ],
        out_specs=pl.BlockSpec((RB, D), lambda i: (i, 0)),
        out_shape=jax.ShapeDtypeStruct((N, D), jnp.float32),
    )(x, opart, b_attn, ln2_w, W_fc, W_proj)


@jax.jit
def kernel(x, edge_index, edge_attr, ln1_w, W_l, b_l, W_r, b_r, W_e, att,
           b_attn, ln2_w, W_fc, W_proj):
    src = edge_index[0]
    dst = edge_index[1]
    xl, xr = _prelude(x, ln1_w, W_l, b_l, W_r, b_r)
    e = _emat(edge_attr, W_e)
    xlsg, xrdg = _scg(xl, xr, src, dst)
    ex = _tc1(xlsg, xrdg, e, att.reshape(1, D))
    z8 = jnp.zeros((N, H), jnp.float32)
    dpart = _scd(ex, dst, z8)
    den = _dsum(dpart)
    dd = _sca(den, dst)
    msg = _tc2(xlsg, ex, dd)
    z128 = jnp.zeros((N, D), jnp.float32)
    opart = _scs(msg, dst, z128)
    return _final(x, opart, b_attn, ln2_w, W_fc, W_proj)

# --- scband reference (transcript-rebuilt; emitter-appended) ---
"""Pipeline reference for scband-gatblock-3272765079675 (READ-ONLY COPY).

The authoritative reference and input builder live on the scoring server;
editing this copy changes nothing except your own understanding.
"""

import jax, jax.numpy as jnp
import numpy as np

N = 10000
E = 320000
D = 128
H = 8
C = D // H  # 16


def setup_inputs(seed: int = 0) -> dict:
    key = jax.random.key(seed)
    ks = jax.random.split(key, 16)
    inp = {}
    inp["x"] = jax.random.normal(ks[0], (N, D), dtype=jnp.float32)
    inp["edge_index"] = jax.random.randint(ks[1], (2, E), 0, N, dtype=jnp.int32)
    inp["edge_attr"] = jax.random.normal(ks[2], (E, D), dtype=jnp.float32)
    # GATBlock parameters
    inp["ln1_w"] = jnp.ones((D,), dtype=jnp.float32)  # LayerNorm bias=False -> no bias
    # GATv2Conv(emb_dim, emb_dim//n_head, heads=n_head, edge_dim=emb_dim): lin_l, lin_r (bias=True), lin_edge (bias=False), att, out bias
    inp["W_l"] = 0.02 * jax.random.normal(ks[3], (D, H * C), dtype=jnp.float32)
    inp["b_l"] = jnp.zeros((H * C,), dtype=jnp.float32)
    inp["W_r"] = 0.02 * jax.random.normal(ks[4], (D, H * C), dtype=jnp.float32)
    inp["b_r"] = jnp.zeros((H * C,), dtype=jnp.float32)
    inp["W_e"] = 0.02 * jax.random.normal(ks[5], (D, H * C), dtype=jnp.float32)
    inp["att"] = 0.02 * jax.random.normal(ks[6], (H, C), dtype=jnp.float32)
    inp["b_attn"] = jnp.zeros((H * C,), dtype=jnp.float32)
    inp["ln2_w"] = jnp.ones((D,), dtype=jnp.float32)
    # MLP (bias=False): c_fc D->4D, c_proj 4D->D
    inp["W_fc"] = 0.02 * jax.random.normal(ks[7], (D, 4 * D), dtype=jnp.float32)
    inp["W_proj"] = 0.02 * jax.random.normal(ks[8], (4 * D, D), dtype=jnp.float32)
    return inp


def _layer_norm(x, w):
    mu = jnp.mean(x, axis=-1, keepdims=True)
    var = jnp.mean((x - mu) ** 2, axis=-1, keepdims=True)
    return (x - mu) / jnp.sqrt(var + 1e-05) * w


def _gatv2(h, edge_index, edge_attr, W_l, b_l, W_r, b_r, W_e, att, b_attn):
    src = edge_index[0]
    dst = edge_index[1]
    n = h.shape[0]
    xl = (h @ W_l + b_l).reshape(n, H, C)
    xr = (h @ W_r + b_r).reshape(n, H, C)
    e = (edge_attr @ W_e).reshape(-1, H, C)
    m = xl[src] + xr[dst] + e  # [E, H, C]
    m = jnp.where(m > 0, m, 0.2 * m)  # leaky_relu(negative_slope=0.2)
    logits = jnp.sum(m * att[None, :, :], axis=-1)  # [E, H]
    amax = jax.ops.segment_max(logits, dst, num_segments=n)
    ex = jnp.exp(logits - amax[dst])
    denom = jax.ops.segment_sum(ex, dst, num_segments=n)
    alpha = ex / (denom[dst] + 1e-16)  # softmax over incoming edges per dst
    msg = xl[src] * alpha[:, :, None]  # [E, H, C]
    out = jax.ops.segment_sum(msg, dst, num_segments=n)
    return out.reshape(n, H * C) + b_attn


def reference(x, edge_index, edge_attr, ln1_w, W_l, b_l, W_r, b_r, W_e, att, b_attn, ln2_w, W_fc, W_proj):
    h1 = _layer_norm(x, ln1_w)
    x = x + _gatv2(h1, edge_index, edge_attr, W_l, b_l, W_r, b_r, W_e, att, b_attn)
    h2 = _layer_norm(x, ln2_w)
    x = x + jnp.maximum(h2 @ W_fc, 0.0) @ W_proj
    return x

if __name__ == "__main__":
    import jax
    _d = setup_inputs()
    print(jax.jit(kernel)(*tuple(_d.values())))

</pallas_src>

<mosaic_0001>
#map = affine_map<(d0, d1) -> (0, 0)>
#map1 = affine_map<(d0, d1) -> (0)>
module attributes {stable_mosaic.version = 14 : i64} {
  func.func @_sca_body(%arg0: i32, %arg1: i32, %arg2: memref<10000x8xf32, #tpu.memory_space<hbm>>, %arg3: memref<320000xi32, #tpu.memory_space<hbm>>, %arg4: memref<320000x8xf32, #tpu.memory_space<hbm>>, %arg5: memref<80xi32, #tpu.memory_space<vmem>>, %arg6: memref<80x8xf32, #tpu.memory_space<vmem>>) attributes {dimension_semantics = [#tpu.dimension_semantics<core_parallel>, #tpu.dimension_semantics<subcore_parallel>], iteration_bounds = array<i64: 2, 16>, scalar_prefetch = 0 : i64, scratch_operands = 2 : i64, tpu.core_type = #tpu.core_type<sc_vector_subcore>, window_params = [{transform_indices = #map}, {transform_indices = #map1}, {transform_indices = #map}]} {
    %mul3A = arith.constant 16 : i32
    %mul3A_0 = arith.muli %arg0, %mul3A : i32
    %add3A = arith.addi %mul3A_0, %arg1 : i32
    %scan3A = arith.constant 0 : i32
    %scan3A_1 = arith.constant 0 : i32
    %scan3A_2 = arith.constant 125 : i32
    %scan3A_3 = arith.addi %scan3A_1, %scan3A_2 : i32
    %scan3A_4 = arith.constant 1 : i32
    scf.for %scan3A_6 = %scan3A_1 to %scan3A_3 step %scan3A_4  : i32 {
      %mul3A_7 = arith.constant 10000 : i32
      %mul3A_8 = arith.muli %add3A, %mul3A_7 : i32
      %mul3A_9 = arith.constant 80 : i32
      %mul3A_10 = arith.muli %scan3A_6, %mul3A_9 : i32
      %add3A_11 = arith.addi %mul3A_8, %mul3A_10 : i32
      "tpu.region"() ({
        %run_scoped3A = tpu.sem_alloc : memref<!tpu.dma_semaphore, #tpu.memory_space<semaphore_mem>>
        %dma_start3A = tpu.memref_slice %arg3[%add3A_11] : memref<320000xi32, #tpu.memory_space<hbm>> -> memref<80xi32, #tpu.memory_space<hbm>>
        %dma_start3A_12 = tpu.memref_slice %arg3[%add3A_11] : memref<320000xi32, #tpu.memory_space<hbm>> -> memref<80xi32, #tpu.memory_space<hbm>>
        tpu.enqueue_dma source(%dma_start3A_12 : memref<80xi32, #tpu.memory_space<hbm>>) target(%arg5 : memref<80xi32, #tpu.memory_space<vmem>>) target_semaphore(%run_scoped3A : memref<!tpu.dma_semaphore, #tpu.memory_space<semaphore_mem>>)
        %dma_wait3A = tpu.memref_slice %arg3[%add3A_11] : memref<320000xi32, #tpu.memory_space<hbm>> -> memref<80xi32, #tpu.memory_space<hbm>>
        %dma_wait3A_13 = tpu.memref_slice %arg3[%add3A_11] : memref<320000xi32, #tpu.memory_space<hbm>> -> memref<80xi32, #tpu.memory_space<hbm>>
        tpu.wait_dma2 semaphore(%run_scoped3A : memref<!tpu.dma_semaphore, #tpu.memory_space<semaphore_mem>>) src(%dma_wait3A_13 : memref<80xi32, #tpu.memory_space<hbm>>) dst(%arg5 : memref<80xi32, #tpu.memory_space<vmem>>)
        tpu.yield
      }) : () -> ()
      "tpu.region"() ({
        %run_scoped3A = tpu.sem_alloc : memref<!tpu.dma_semaphore, #tpu.memory_space<semaphore_mem>>
        %dma_start3A = arith.constant 0 : i32
        %dma_start3A_12 = arith.constant 0 : i32
        %dma_start3A_13 = tpu.memref_slice %arg2[%dma_start3A, %dma_start3A_12] : memref<10000x8xf32, #tpu.memory_space<hbm>> -> memref<10000x8xf32, #tpu.memory_space<hbm>>
        tpu.enqueue_indirect_dma source(%dma_start3A_13 : memref<10000x8xf32, #tpu.memory_space<hbm>>) target(%arg6 : memref<80x8xf32, #tpu.memory_space<vmem>>) offsets(%arg5 : memref<80xi32, #tpu.memory_space<vmem>>) semaphore(%run_scoped3A : memref<!tpu.dma_semaphore, #tpu.memory_space<semaphore_mem>>)
        %dma_wait3A = arith.constant 0 : i32
        %dma_wait3A_14 = arith.constant 0 : i32
        %dma_wait3A_15 = tpu.memref_slice %arg2[%dma_wait3A, %dma_wait3A_14] : memref<10000x8xf32, #tpu.memory_space<hbm>> -> memref<10000x8xf32, #tpu.memory_space<hbm>>
        tpu.wait_indirect_dma semaphore(%run_scoped3A : memref<!tpu.dma_semaphore, #tpu.memory_space<semaphore_mem>>) src(%dma_wait3A_15 : memref<10000x8xf32, #tpu.memory_space<hbm>>) dst(%arg6 : memref<80x8xf32, #tpu.memory_space<vmem>>)
        tpu.yield
      }) : () -> ()
      "tpu.region"() ({
        %run_scoped3A = tpu.sem_alloc : memref<!tpu.dma_semaphore, #tpu.memory_space<semaphore_mem>>
        %dma_start3A = arith.constant 0 : i32
        %dma_start3A_12 = tpu.memref_slice %arg4[%add3A_11, %dma_start3A] : memref<320000x8xf32, #tpu.memory_space<hbm>> -> memref<80x8xf32, #tpu.memory_space<hbm>>
        %dma_start3A_13 = arith.constant 0 : i32
        %dma_start3A_14 = tpu.memref_slice %arg4[%add3A_11, %dma_start3A_13] : memref<320000x8xf32, #tpu.memory_space<hbm>> -> memref<80x8xf32, #tpu.memory_space<hbm>>
        tpu.enqueue_dma source(%arg6 : memref<80x8xf32, #tpu.memory_space<vmem>>) target(%dma_start3A_14 : memref<80x8xf32, #tpu.memory_space<hbm>>) target_semaphore(%run_scoped3A : memref<!tpu.dma_semaphore, #tpu.memory_space<semaphore_mem>>)
        %dma_wait3A = arith.constant 0 : i32
        %dma_wait3A_15 = tpu.memref_slice %arg4[%add3A_11, %dma_wait3A] : memref<320000x8xf32, #tpu.memory_space<hbm>> -> memref<80x8xf32, #tpu.memory_space<hbm>>
        %dma_wait3A_16 = arith.constant 0 : i32
        %dma_wait3A_17 = tpu.memref_slice %arg4[%add3A_11, %dma_wait3A_16] : memref<320000x8xf32, #tpu.memory_space<hbm>> -> memref<80x8xf32, #tpu.memory_space<hbm>>
        tpu.wait_dma2 semaphore(%run_scoped3A : memref<!tpu.dma_semaphore, #tpu.memory_space<semaphore_mem>>) src(%arg6 : memref<80x8xf32, #tpu.memory_space<vmem>>) dst(%dma_wait3A_17 : memref<80x8xf32, #tpu.memory_space<hbm>>)
        tpu.yield
      }) : () -> ()
    }
    %scan3A_5 = arith.constant 125 : i32
    return
  }
}

#map = affine_map<(d0, d1) -> (0, 0)>
#map1 = affine_map<(d0, d1) -> (0)>
module attributes {stable_mosaic.version = 14 : i64} {
  func.func @_scg_body(%arg0: i32, %arg1: i32, %arg2: memref<10000x128xf32, #tpu.memory_space<hbm>>, %arg3: memref<10000x128xf32, #tpu.memory_space<hbm>>, %arg4: memref<320000xi32, #tpu.memory_space<hbm>>, %arg5: memref<320000xi32, #tpu.memory_space<hbm>>, %arg6: memref<320000x128xf32, #tpu.memory_space<hbm>>, %arg7: memref<320000x128xf32, #tpu.memory_space<hbm>>, %arg8: memref<80xi32, #tpu.memory_space<vmem>>, %arg9: memref<80xi32, #tpu.memory_space<vmem>>, %arg10: memref<80x128xf32, #tpu.memory_space<vmem>>, %arg11: memref<80x128xf32, #tpu.memory_space<vmem>>) attributes {dimension_semantics = [#tpu.dimension_semantics<core_parallel>, #tpu.dimension_semantics<subcore_parallel>], iteration_bounds = array<i64: 2, 16>, scalar_prefetch = 0 : i64, scratch_operands = 4 : i64, tpu.core_type = #tpu.core_type<sc_vector_subcore>, window_params = [{transform_indices = #map}, {transform_indices = #map}, {transform_indices = #map1}, {transform_indices = #map1}, {transform_indices = #map}, {transform_indices = #map}]} {
    %mul3A = arith.constant 16 : i32
    %mul3A_0 = arith.muli %arg0, %mul3A : i32
    %add3A = arith.addi %mul3A_0, %arg1 : i32
    %scan3A = arith.constant 0 : i32
    %scan3A_1 = arith.constant 0 : i32
    %scan3A_2 = arith.constant 125 : i32
    %scan3A_3 = arith.addi %scan3A_1, %scan3A_2 : i32
    %scan3A_4 = arith.constant 1 : i32
    scf.for %scan3A_6 = %scan3A_1 to %scan3A_3 step %scan3A_4  : i32 {
      %mul3A_7 = arith.constant 10000 : i32
      %mul3A_8 = arith.muli %add3A, %mul3A_7 : i32
      %mul3A_9 = arith.constant 80 : i32
      %mul3A_10 = arith.muli %scan3A_6, %mul3A_9 : i32
      %add3A_11 = arith.addi %mul3A_8, %mul3A_10 : i32
      "tpu.region"() ({
        %run_scoped3A = tpu.sem_alloc : memref<!tpu.dma_semaphore, #tpu.memory_space<semaphore_mem>>
        %dma_start3A = tpu.memref_slice %arg4[%add3A_11] : memref<320000xi32, #tpu.memory_space<hbm>> -> memref<80xi32, #tpu.memory_space<hbm>>
        %dma_start3A_12 = tpu.memref_slice %arg4[%add3A_11] : memref<320000xi32, #tpu.memory_space<hbm>> -> memref<80xi32, #tpu.memory_space<hbm>>
        tpu.enqueue_dma source(%dma_start3A_12 : memref<80xi32, #tpu.memory_space<hbm>>) target(%arg8 : memref<80xi32, #tpu.memory_space<vmem>>) target_semaphore(%run_scoped3A : memref<!tpu.dma_semaphore, #tpu.memory_space<semaphore_mem>>)
        %dma_wait3A = tpu.memref_slice %arg4[%add3A_11] : memref<320000xi32, #tpu.memory_space<hbm>> -> memref<80xi32, #tpu.memory_space<hbm>>
        %dma_wait3A_13 = tpu.memref_slice %arg4[%add3A_11] : memref<320000xi32, #tpu.memory_space<hbm>> -> memref<80xi32, #tpu.memory_space<hbm>>
        tpu.wait_dma2 semaphore(%run_scoped3A : memref<!tpu.dma_semaphore, #tpu.memory_space<semaphore_mem>>) src(%dma_wait3A_13 : memref<80xi32, #tpu.memory_space<hbm>>) dst(%arg8 : memref<80xi32, #tpu.memory_space<vmem>>)
        tpu.yield
      }) : () -> ()
      "tpu.region"() ({
        %run_scoped3A = tpu.sem_alloc : memref<!tpu.dma_semaphore, #tpu.memory_space<semaphore_mem>>
        %dma_start3A = tpu.memref_slice %arg5[%add3A_11] : memref<320000xi32, #tpu.memory_space<hbm>> -> memref<80xi32, #tpu.memory_space<hbm>>
        %dma_start3A_12 = tpu.memref_slice %arg5[%add3A_11] : memref<320000xi32, #tpu.memory_space<hbm>> -> memref<80xi32, #tpu.memory_space<hbm>>
        tpu.enqueue_dma source(%dma_start3A_12 : memref<80xi32, #tpu.memory_space<hbm>>) target(%arg9 : memref<80xi32, #tpu.memory_space<vmem>>) target_semaphore(%run_scoped3A : memref<!tpu.dma_semaphore, #tpu.memory_space<semaphore_mem>>)
        %dma_wait3A = tpu.memref_slice %arg5[%add3A_11] : memref<320000xi32, #tpu.memory_space<hbm>> -> memref<80xi32, #tpu.memory_space<hbm>>
        %dma_wait3A_13 = tpu.memref_slice %arg5[%add3A_11] : memref<320000xi32, #tpu.memory_space<hbm>> -> memref<80xi32, #tpu.memory_space<hbm>>
        tpu.wait_dma2 semaphore(%run_scoped3A : memref<!tpu.dma_semaphore, #tpu.memory_space<semaphore_mem>>) src(%dma_wait3A_13 : memref<80xi32, #tpu.memory_space<hbm>>) dst(%arg9 : memref<80xi32, #tpu.memory_space<vmem>>)
        tpu.yield
      }) : () -> ()
      "tpu.region"() ({
        %run_scoped3A = tpu.sem_alloc : memref<!tpu.dma_semaphore, #tpu.memory_space<semaphore_mem>>
        %dma_start3A = arith.constant 0 : i32
        %dma_start3A_12 = arith.constant 0 : i32
        %dma_start3A_13 = tpu.memref_slice %arg2[%dma_start3A, %dma_start3A_12] : memref<10000x128xf32, #tpu.memory_space<hbm>> -> memref<10000x128xf32, #tpu.memory_space<hbm>>
        tpu.enqueue_indirect_dma source(%dma_start3A_13 : memref<10000x128xf32, #tpu.memory_space<hbm>>) target(%arg10 : memref<80x128xf32, #tpu.memory_space<vmem>>) offsets(%arg8 : memref<80xi32, #tpu.memory_space<vmem>>) semaphore(%run_scoped3A : memref<!tpu.dma_semaphore, #tpu.memory_space<semaphore_mem>>)
        %dma_wait3A = arith.constant 0 : i32
        %dma_wait3A_14 = arith.constant 0 : i32
        %dma_wait3A_15 = tpu.memref_slice %arg2[%dma_wait3A, %dma_wait3A_14] : memref<10000x128xf32, #tpu.memory_space<hbm>> -> memref<10000x128xf32, #tpu.memory_space<hbm>>
        tpu.wait_indirect_dma semaphore(%run_scoped3A : memref<!tpu.dma_semaphore, #tpu.memory_space<semaphore_mem>>) src(%dma_wait3A_15 : memref<10000x128xf32, #tpu.memory_space<hbm>>) dst(%arg10 : memref<80x128xf32, #tpu.memory_space<vmem>>)
        tpu.yield
      }) : () -> ()
      "tpu.region"() ({
        %run_scoped3A = tpu.sem_alloc : memref<!tpu.dma_semaphore, #tpu.memory_space<semaphore_mem>>
        %dma_start3A = arith.constant 0 : i32
        %dma_start3A_12 = arith.constant 0 : i32
        %dma_start3A_13 = tpu.memref_slice %arg3[%dma_start3A, %dma_start3A_12] : memref<10000x128xf32, #tpu.memory_space<hbm>> -> memref<10000x128xf32, #tpu.memory_space<hbm>>
        tpu.enqueue_indirect_dma source(%dma_start3A_13 : memref<10000x128xf32, #tpu.memory_space<hbm>>) target(%arg11 : memref<80x128xf32, #tpu.memory_space<vmem>>) offsets(%arg9 : memref<80xi32, #tpu.memory_space<vmem>>) semaphore(%run_scoped3A : memref<!tpu.dma_semaphore, #tpu.memory_space<semaphore_mem>>)
        %dma_wait3A = arith.constant 0 : i32
        %dma_wait3A_14 = arith.constant 0 : i32
        %dma_wait3A_15 = tpu.memref_slice %arg3[%dma_wait3A, %dma_wait3A_14] : memref<10000x128xf32, #tpu.memory_space<hbm>> -> memref<10000x128xf32, #tpu.memory_space<hbm>>
        tpu.wait_indirect_dma semaphore(%run_scoped3A : memref<!tpu.dma_semaphore, #tpu.memory_space<semaphore_mem>>) src(%dma_wait3A_15 : memref<10000x128xf32, #tpu.memory_space<hbm>>) dst(%arg11 : memref<80x128xf32, #tpu.memory_space<vmem>>)
        tpu.yield
      }) : () -> ()
      "tpu.region"() ({
        %run_scoped3A = tpu.sem_alloc : memref<!tpu.dma_semaphore, #tpu.memory_space<semaphore_mem>>
        %dma_start3A = arith.constant 0 : i32
        %dma_start3A_12 = tpu.memref_slice %arg6[%add3A_11, %dma_start3A] : memref<320000x128xf32, #tpu.memory_space<hbm>> -> memref<80x128xf32, #tpu.memory_space<hbm>>
        %dma_start3A_13 = arith.constant 0 : i32
        %dma_start3A_14 = tpu.memref_slice %arg6[%add3A_11, %dma_start3A_13] : memref<320000x128xf32, #tpu.memory_space<hbm>> -> memref<80x128xf32, #tpu.memory_space<hbm>>
        tpu.enqueue_dma source(%arg10 : memref<80x128xf32, #tpu.memory_space<vmem>>) target(%dma_start3A_14 : memref<80x128xf32, #tpu.memory_space<hbm>>) target_semaphore(%run_scoped3A : memref<!tpu.dma_semaphore, #tpu.memory_space<semaphore_mem>>)
        %dma_wait3A = arith.constant 0 : i32
        %dma_wait3A_15 = tpu.memref_slice %arg6[%add3A_11, %dma_wait3A] : memref<320000x128xf32, #tpu.memory_space<hbm>> -> memref<80x128xf32, #tpu.memory_space<hbm>>
        %dma_wait3A_16 = arith.constant 0 : i32
        %dma_wait3A_17 = tpu.memref_slice %arg6[%add3A_11, %dma_wait3A_16] : memref<320000x128xf32, #tpu.memory_space<hbm>> -> memref<80x128xf32, #tpu.memory_space<hbm>>
        tpu.wait_dma2 semaphore(%run_scoped3A : memref<!tpu.dma_semaphore, #tpu.memory_space<semaphore_mem>>) src(%arg10 : memref<80x128xf32, #tpu.memory_space<vmem>>) dst(%dma_wait3A_17 : memref<80x128xf32, #tpu.memory_space<hbm>>)
        tpu.yield
      }) : () -> ()
      "tpu.region"() ({
        %run_scoped3A = tpu.sem_alloc : memref<!tpu.dma_semaphore, #tpu.memory_space<semaphore_mem>>
        %dma_start3A = arith.constant 0 : i32
        %dma_start3A_12 = tpu.memref_slice %arg7[%add3A_11, %dma_start3A] : memref<320000x128xf32, #tpu.memory_space<hbm>> -> memref<80x128xf32, #tpu.memory_space<hbm>>
        %dma_start3A_13 = arith.constant 0 : i32
        %dma_start3A_14 = tpu.memref_slice %arg7[%add3A_11, %dma_start3A_13] : memref<320000x128xf32, #tpu.memory_space<hbm>> -> memref<80x128xf32, #tpu.memory_space<hbm>>
        tpu.enqueue_dma source(%arg11 : memref<80x128xf32, #tpu.memory_space<vmem>>) target(%dma_start3A_14 : memref<80x128xf32, #tpu.memory_space<hbm>>) target_semaphore(%run_scoped3A : memref<!tpu.dma_semaphore, #tpu.memory_space<semaphore_mem>>)
        %dma_wait3A = arith.constant 0 : i32
        %dma_wait3A_15 = tpu.memref_slice %arg7[%add3A_11, %dma_wait3A] : memref<320000x128xf32, #tpu.memory_space<hbm>> -> memref<80x128xf32, #tpu.memory_space<hbm>>
        %dma_wait3A_16 = arith.constant 0 : i32
        %dma_wait3A_17 = tpu.memref_slice %arg7[%add3A_11, %dma_wait3A_16] : memref<320000x128xf32, #tpu.memory_space<hbm>> -> memref<80x128xf32, #tpu.memory_space<hbm>>
        tpu.wait_dma2 semaphore(%run_scoped3A : memref<!tpu.dma_semaphore, #tpu.memory_space<semaphore_mem>>) src(%arg11 : memref<80x128xf32, #tpu.memory_space<vmem>>) dst(%dma_wait3A_17 : memref<80x128xf32, #tpu.memory_space<hbm>>)
        tpu.yield
      }) : () -> ()
    }
    %scan3A_5 = arith.constant 125 : i32
    return
  }
}

#map = affine_map<(d0, d1) -> (0, 0)>
#map1 = affine_map<(d0, d1) -> (0)>
#map2 = affine_map<(d0, d1) -> (0, 0, 0)>
module attributes {stable_mosaic.version = 14 : i64} {
  func.func @_scs_body(%arg0: i32, %arg1: i32, %arg2: memref<320000x128xf32, #tpu.memory_space<hbm>>, %arg3: memref<320000xi32, #tpu.memory_space<hbm>>, %arg4: memref<10000x128xf32, #tpu.memory_space<hbm>>, %arg5: memref<2x10000x128xf32, #tpu.memory_space<hbm>>, %arg6: memref<80xi32, #tpu.memory_space<vmem>>, %arg7: memref<80x128xf32, #tpu.memory_space<vmem>>, %arg8: memref<10000x128xf32, #tpu.memory_space<vmem_shared>>) attributes {dimension_semantics = [#tpu.dimension_semantics<core_parallel>, #tpu.dimension_semantics<subcore_parallel>], iteration_bounds = array<i64: 2, 16>, scalar_prefetch = 0 : i64, scratch_operands = 3 : i64, tpu.core_type = #tpu.core_type<sc_vector_subcore>, window_params = [{transform_indices = #map}, {transform_indices = #map1}, {transform_indices = #map}, {transform_indices = #map2}]} {
    %mul3A = arith.constant 16 : i32
    %mul3A_0 = arith.muli %arg0, %mul3A : i32
    %add3A = arith.addi %mul3A_0, %arg1 : i32
    %eq3A = arith.constant 0 : i32
    %eq3A_1 = arith.cmpi eq, %arg1, %eq3A : i32
    %convert_element_type3A = arith.extui %eq3A_1 : i1 to i32
    %cond3A = arith.constant 0 : i32
    %cond3A_2 = arith.cmpi ne, %convert_element_type3A, %cond3A : i32
    scf.if %cond3A_2 {
      "tpu.region"() ({
        %run_scoped3A = tpu.sem_alloc : memref<!tpu.dma_semaphore, #tpu.memory_space<semaphore_mem>>
        tpu.enqueue_dma source(%arg4 : memref<10000x128xf32, #tpu.memory_space<hbm>>) target(%arg8 : memref<10000x128xf32, #tpu.memory_space<vmem_shared>>) target_semaphore(%run_scoped3A : memref<!tpu.dma_semaphore, #tpu.memory_space<semaphore_mem>>)
        tpu.wait_dma2 semaphore(%run_scoped3A : memref<!tpu.dma_semaphore, #tpu.memory_space<semaphore_mem>>) src(%arg4 : memref<10000x128xf32, #tpu.memory_space<hbm>>) dst(%arg8 : memref<10000x128xf32, #tpu.memory_space<vmem_shared>>)
        tpu.yield
      }) : () -> ()
    } else {
    }
    %barrier3A = arith.constant 0 : index
    tpu.barrier barrier_id(%barrier3A)
    %scan3A = arith.constant 0 : i32
    %scan3A_3 = arith.constant 0 : i32
    %scan3A_4 = arith.constant 125 : i32
    %scan3A_5 = arith.addi %scan3A_3, %scan3A_4 : i32
    %scan3A_6 = arith.constant 1 : i32
    scf.for %scan3A_14 = %scan3A_3 to %scan3A_5 step %scan3A_6  : i32 {
      %mul3A_15 = arith.constant 10000 : i32
      %mul3A_16 = arith.muli %add3A, %mul3A_15 : i32
      %mul3A_17 = arith.constant 80 : i32
      %mul3A_18 = arith.muli %scan3A_14, %mul3A_17 : i32
      %add3A_19 = arith.addi %mul3A_16, %mul3A_18 : i32
      "tpu.region"() ({
        %run_scoped3A = tpu.sem_alloc : memref<!tpu.dma_semaphore, #tpu.memory_space<semaphore_mem>>
        %dma_start3A = tpu.memref_slice %arg3[%add3A_19] : memref<320000xi32, #tpu.memory_space<hbm>> -> memref<80xi32, #tpu.memory_space<hbm>>
        %dma_start3A_20 = tpu.memref_slice %arg3[%add3A_19] : memref<320000xi32, #tpu.memory_space<hbm>> -> memref<80xi32, #tpu.memory_space<hbm>>
        tpu.enqueue_dma source(%dma_start3A_20 : memref<80xi32, #tpu.memory_space<hbm>>) target(%arg6 : memref<80xi32, #tpu.memory_space<vmem>>) target_semaphore(%run_scoped3A : memref<!tpu.dma_semaphore, #tpu.memory_space<semaphore_mem>>)
        %dma_wait3A = tpu.memref_slice %arg3[%add3A_19] : memref<320000xi32, #tpu.memory_space<hbm>> -> memref<80xi32, #tpu.memory_space<hbm>>
        %dma_wait3A_21 = tpu.memref_slice %arg3[%add3A_19] : memref<320000xi32, #tpu.memory_space<hbm>> -> memref<80xi32, #tpu.memory_space<hbm>>
        tpu.wait_dma2 semaphore(%run_scoped3A : memref<!tpu.dma_semaphore, #tpu.memory_space<semaphore_mem>>) src(%dma_wait3A_21 : memref<80xi32, #tpu.memory_space<hbm>>) dst(%arg6 : memref<80xi32, #tpu.memory_space<vmem>>)
        tpu.yield
      }) : () -> ()
      "tpu.region"() ({
        %run_scoped3A = tpu.sem_alloc : memref<!tpu.dma_semaphore, #tpu.memory_space<semaphore_mem>>
        %dma_start3A = arith.constant 0 : i32
        %dma_start3A_20 = tpu.memref_slice %arg2[%add3A_19, %dma_start3A] : memref<320000x128xf32, #tpu.memory_space<hbm>> -> memref<80x128xf32, #tpu.memory_space<hbm>>
        %dma_start3A_21 = arith.constant 0 : i32
        %dma_start3A_22 = tpu.memref_slice %arg2[%add3A_19, %dma_start3A_21] : memref<320000x128xf32, #tpu.memory_space<hbm>> -> memref<80x128xf32, #tpu.memory_space<hbm>>
        tpu.enqueue_dma source(%dma_start3A_22 : memref<80x128xf32, #tpu.memory_space<hbm>>) target(%arg7 : memref<80x128xf32, #tpu.memory_space<vmem>>) target_semaphore(%run_scoped3A : memref<!tpu.dma_semaphore, #tpu.memory_space<semaphore_mem>>)
        %dma_wait3A = arith.constant 0 : i32
        %dma_wait3A_23 = tpu.memref_slice %arg2[%add3A_19, %dma_wait3A] : memref<320000x128xf32, #tpu.memory_space<hbm>> -> memref<80x128xf32, #tpu.memory_space<hbm>>
        %dma_wait3A_24 = arith.constant 0 : i32
        %dma_wait3A_25 = tpu.memref_slice %arg2[%add3A_19, %dma_wait3A_24] : memref<320000x128xf32, #tpu.memory_space<hbm>> -> memref<80x128xf32, #tpu.memory_space<hbm>>
        tpu.wait_dma2 semaphore(%run_scoped3A : memref<!tpu.dma_semaphore, #tpu.memory_space<semaphore_mem>>) src(%dma_wait3A_25 : memref<80x128xf32, #tpu.memory_space<hbm>>) dst(%arg7 : memref<80x128xf32, #tpu.memory_space<vmem>>)
        tpu.yield
      }) : () -> ()
      "tpu.region"() ({
        %run_scoped3A = tpu.sem_alloc : memref<!tpu.dma_semaphore, #tpu.memory_space<semaphore_mem>>
        %dma_start3A = arith.constant 0 : i32
        %dma_start3A_20 = arith.constant 0 : i32
        %dma_start3A_21 = tpu.memref_slice %arg8[%dma_start3A, %dma_start3A_20] : memref<10000x128xf32, #tpu.memory_space<vmem_shared>> -> memref<10000x128xf32, #tpu.memory_space<vmem_shared>>
        tpu.enqueue_indirect_dma source(%arg7 : memref<80x128xf32, #tpu.memory_space<vmem>>) target(%dma_start3A_21 : memref<10000x128xf32, #tpu.memory_space<vmem_shared>>) offsets(%arg6 : memref<80xi32, #tpu.memory_space<vmem>>) semaphore(%run_scoped3A : memref<!tpu.dma_semaphore, #tpu.memory_space<semaphore_mem>>) {add = true}
        %dma_wait3A = arith.constant 0 : i32
        %dma_wait3A_22 = arith.constant 0 : i32
        %dma_wait3A_23 = tpu.memref_slice %arg8[%dma_wait3A, %dma_wait3A_22] : memref<10000x128xf32, #tpu.memory_space<vmem_shared>> -> memref<10000x128xf32, #tpu.memory_space<vmem_shared>>
        tpu.wait_indirect_dma semaphore(%run_scoped3A : memref<!tpu.dma_semaphore, #tpu.memory_space<semaphore_mem>>) src(%arg7 : memref<80x128xf32, #tpu.memory_space<vmem>>) dst(%dma_wait3A_23 : memref<10000x128xf32, #tpu.memory_space<vmem_shared>>)
        tpu.yield
      }) : () -> ()
    }
    %scan3A_7 = arith.constant 125 : i32
    %barrier3A_8 = arith.constant 0 : index
    tpu.barrier barrier_id(%barrier3A_8)
    %eq3A_9 = arith.constant 0 : i32
    %eq3A_10 = arith.cmpi eq, %arg1, %eq3A_9 : i32
    %convert_element_type3A_11 = arith.extui %eq3A_10 : i1 to i32
    %cond3A_12 = arith.constant 0 : i32
    %cond3A_13 = arith.cmpi ne, %convert_element_type3A_11, %cond3A_12 : i32
    scf.if %cond3A_13 {
      "tpu.region"() ({
        %run_scoped3A = tpu.sem_alloc : memref<!tpu.dma_semaphore, #tpu.memory_space<semaphore_mem>>
        %dma_start3A = arith.constant 0 : i32
        %dma_start3A_14 = arith.constant 0 : i32
        %dma_start3A_15 = tpu.memref_slice %arg5[%arg0, %dma_start3A, %dma_start3A_14] : memref<2x10000x128xf32, #tpu.memory_space<hbm>> -> memref<1x10000x128xf32, #tpu.memory_space<hbm>>
        %dma_start3A_16 = tpu.memref_squeeze %dma_start3A_15 : memref<1x10000x128xf32, #tpu.memory_space<hbm>> -> memref<10000x128xf32, #tpu.memory_space<hbm>>
        tpu.enqueue_dma source(%arg8 : memref<10000x128xf32, #tpu.memory_space<vmem_shared>>) target(%dma_start3A_16 : memref<10000x128xf32, #tpu.memory_space<hbm>>) target_semaphore(%run_scoped3A : memref<!tpu.dma_semaphore, #tpu.memory_space<semaphore_mem>>)
        %dma_wait3A = arith.constant 0 : i32
        %dma_wait3A_17 = arith.constant 0 : i32
        %dma_wait3A_18 = tpu.memref_slice %arg5[%arg0, %dma_wait3A, %dma_wait3A_17] : memref<2x10000x128xf32, #tpu.memory_space<hbm>> -> memref<1x10000x128xf32, #tpu.memory_space<hbm>>
        %dma_wait3A_19 = tpu.memref_squeeze %dma_wait3A_18 : memref<1x10000x128xf32, #tpu.memory_space<hbm>> -> memref<10000x128xf32, #tpu.memory_space<hbm>>
        tpu.wait_dma2 semaphore(%run_scoped3A : memref<!tpu.dma_semaphore, #tpu.memory_space<semaphore_mem>>) src(%arg8 : memref<10000x128xf32, #tpu.memory_space<vmem_shared>>) dst(%dma_wait3A_19 : memref<10000x128xf32, #tpu.memory_space<hbm>>)
        tpu.yield
      }) : () -> ()
    } else {
    }
    return
  }
}

#map = affine_map<(d0, d1) -> (0, 0)>
#map1 = affine_map<(d0, d1) -> (0)>
#map2 = affine_map<(d0, d1) -> (0, 0, 0)>
module attributes {stable_mosaic.version = 14 : i64} {
  func.func @_scd_body(%arg0: i32, %arg1: i32, %arg2: memref<320000x8xf32, #tpu.memory_space<hbm>>, %arg3: memref<320000xi32, #tpu.memory_space<hbm>>, %arg4: memref<10000x8xf32, #tpu.memory_space<hbm>>, %arg5: memref<2x10000x8xf32, #tpu.memory_space<hbm>>, %arg6: memref<80xi32, #tpu.memory_space<vmem>>, %arg7: memref<80x8xf32, #tpu.memory_space<vmem>>, %arg8: memref<10000x8xf32, #tpu.memory_space<vmem_shared>>) attributes {dimension_semantics = [#tpu.dimension_semantics<core_parallel>, #tpu.dimension_semantics<subcore_parallel>], iteration_bounds = array<i64: 2, 16>, scalar_prefetch = 0 : i64, scratch_operands = 3 : i64, tpu.core_type = #tpu.core_type<sc_vector_subcore>, window_params = [{transform_indices = #map}, {transform_indices = #map1}, {transform_indices = #map}, {transform_indices = #map2}]} {
    %mul3A = arith.constant 16 : i32
    %mul3A_0 = arith.muli %arg0, %mul3A : i32
    %add3A = arith.addi %mul3A_0, %arg1 : i32
    %eq3A = arith.constant 0 : i32
    %eq3A_1 = arith.cmpi eq, %arg1, %eq3A : i32
    %convert_element_type3A = arith.extui %eq3A_1 : i1 to i32
    %cond3A = arith.constant 0 : i32
    %cond3A_2 = arith.cmpi ne, %convert_element_type3A, %cond3A : i32
    scf.if %cond3A_2 {
      "tpu.region"() ({
        %run_scoped3A = tpu.sem_alloc : memref<!tpu.dma_semaphore, #tpu.memory_space<semaphore_mem>>
        tpu.enqueue_dma source(%arg4 : memref<10000x8xf32, #tpu.memory_space<hbm>>) target(%arg8 : memref<10000x8xf32, #tpu.memory_space<vmem_shared>>) target_semaphore(%run_scoped3A : memref<!tpu.dma_semaphore, #tpu.memory_space<semaphore_mem>>)
        tpu.wait_dma2 semaphore(%run_scoped3A : memref<!tpu.dma_semaphore, #tpu.memory_space<semaphore_mem>>) src(%arg4 : memref<10000x8xf32, #tpu.memory_space<hbm>>) dst(%arg8 : memref<10000x8xf32, #tpu.memory_space<vmem_shared>>)
        tpu.yield
      }) : () -> ()
    } else {
    }
    %barrier3A = arith.constant 0 : index
    tpu.barrier barrier_id(%barrier3A)
    %scan3A = arith.constant 0 : i32
    %scan3A_3 = arith.constant 0 : i32
    %scan3A_4 = arith.constant 125 : i32
    %scan3A_5 = arith.addi %scan3A_3, %scan3A_4 : i32
    %scan3A_6 = arith.constant 1 : i32
    scf.for %scan3A_14 = %scan3A_3 to %scan3A_5 step %scan3A_6  : i32 {
      %mul3A_15 = arith.constant 10000 : i32
      %mul3A_16 = arith.muli %add3A, %mul3A_15 : i32
      %mul3A_17 = arith.constant 80 : i32
      %mul3A_18 = arith.muli %scan3A_14, %mul3A_17 : i32
      %add3A_19 = arith.addi %mul3A_16, %mul3A_18 : i32
      "tpu.region"() ({
        %run_scoped3A = tpu.sem_alloc : memref<!tpu.dma_semaphore, #tpu.memory_space<semaphore_mem>>
        %dma_start3A = tpu.memref_slice %arg3[%add3A_19] : memref<320000xi32, #tpu.memory_space<hbm>> -> memref<80xi32, #tpu.memory_space<hbm>>
        %dma_start3A_20 = tpu.memref_slice %arg3[%add3A_19] : memref<320000xi32, #tpu.memory_space<hbm>> -> memref<80xi32, #tpu.memory_space<hbm>>
        tpu.enqueue_dma source(%dma_start3A_20 : memref<80xi32, #tpu.memory_space<hbm>>) target(%arg6 : memref<80xi32, #tpu.memory_space<vmem>>) target_semaphore(%run_scoped3A : memref<!tpu.dma_semaphore, #tpu.memory_space<semaphore_mem>>)
        %dma_wait3A = tpu.memref_slice %arg3[%add3A_19] : memref<320000xi32, #tpu.memory_space<hbm>> -> memref<80xi32, #tpu.memory_space<hbm>>
        %dma_wait3A_21 = tpu.memref_slice %arg3[%add3A_19] : memref<320000xi32, #tpu.memory_space<hbm>> -> memref<80xi32, #tpu.memory_space<hbm>>
        tpu.wait_dma2 semaphore(%run_scoped3A : memref<!tpu.dma_semaphore, #tpu.memory_space<semaphore_mem>>) src(%dma_wait3A_21 : memref<80xi32, #tpu.memory_space<hbm>>) dst(%arg6 : memref<80xi32, #tpu.memory_space<vmem>>)
        tpu.yield
      }) : () -> ()
      "tpu.region"() ({
        %run_scoped3A = tpu.sem_alloc : memref<!tpu.dma_semaphore, #tpu.memory_space<semaphore_mem>>
        %dma_start3A = arith.constant 0 : i32
        %dma_start3A_20 = tpu.memref_slice %arg2[%add3A_19, %dma_start3A] : memref<320000x8xf32, #tpu.memory_space<hbm>> -> memref<80x8xf32, #tpu.memory_space<hbm>>
        %dma_start3A_21 = arith.constant 0 : i32
        %dma_start3A_22 = tpu.memref_slice %arg2[%add3A_19, %dma_start3A_21] : memref<320000x8xf32, #tpu.memory_space<hbm>> -> memref<80x8xf32, #tpu.memory_space<hbm>>
        tpu.enqueue_dma source(%dma_start3A_22 : memref<80x8xf32, #tpu.memory_space<hbm>>) target(%arg7 : memref<80x8xf32, #tpu.memory_space<vmem>>) target_semaphore(%run_scoped3A : memref<!tpu.dma_semaphore, #tpu.memory_space<semaphore_mem>>)
        %dma_wait3A = arith.constant 0 : i32
        %dma_wait3A_23 = tpu.memref_slice %arg2[%add3A_19, %dma_wait3A] : memref<320000x8xf32, #tpu.memory_space<hbm>> -> memref<80x8xf32, #tpu.memory_space<hbm>>
        %dma_wait3A_24 = arith.constant 0 : i32
        %dma_wait3A_25 = tpu.memref_slice %arg2[%add3A_19, %dma_wait3A_24] : memref<320000x8xf32, #tpu.memory_space<hbm>> -> memref<80x8xf32, #tpu.memory_space<hbm>>
        tpu.wait_dma2 semaphore(%run_scoped3A : memref<!tpu.dma_semaphore, #tpu.memory_space<semaphore_mem>>) src(%dma_wait3A_25 : memref<80x8xf32, #tpu.memory_space<hbm>>) dst(%arg7 : memref<80x8xf32, #tpu.memory_space<vmem>>)
        tpu.yield
      }) : () -> ()
      "tpu.region"() ({
        %run_scoped3A = tpu.sem_alloc : memref<!tpu.dma_semaphore, #tpu.memory_space<semaphore_mem>>
        %dma_start3A = arith.constant 0 : i32
        %dma_start3A_20 = arith.constant 0 : i32
        %dma_start3A_21 = tpu.memref_slice %arg8[%dma_start3A, %dma_start3A_20] : memref<10000x8xf32, #tpu.memory_space<vmem_shared>> -> memref<10000x8xf32, #tpu.memory_space<vmem_shared>>
        tpu.enqueue_indirect_dma source(%arg7 : memref<80x8xf32, #tpu.memory_space<vmem>>) target(%dma_start3A_21 : memref<10000x8xf32, #tpu.memory_space<vmem_shared>>) offsets(%arg6 : memref<80xi32, #tpu.memory_space<vmem>>) semaphore(%run_scoped3A : memref<!tpu.dma_semaphore, #tpu.memory_space<semaphore_mem>>) {add = true}
        %dma_wait3A = arith.constant 0 : i32
        %dma_wait3A_22 = arith.constant 0 : i32
        %dma_wait3A_23 = tpu.memref_slice %arg8[%dma_wait3A, %dma_wait3A_22] : memref<10000x8xf32, #tpu.memory_space<vmem_shared>> -> memref<10000x8xf32, #tpu.memory_space<vmem_shared>>
        tpu.wait_indirect_dma semaphore(%run_scoped3A : memref<!tpu.dma_semaphore, #tpu.memory_space<semaphore_mem>>) src(%arg7 : memref<80x8xf32, #tpu.memory_space<vmem>>) dst(%dma_wait3A_23 : memref<10000x8xf32, #tpu.memory_space<vmem_shared>>)
        tpu.yield
      }) : () -> ()
    }
    %scan3A_7 = arith.constant 125 : i32
    %barrier3A_8 = arith.constant 0 : index
    tpu.barrier barrier_id(%barrier3A_8)
    %eq3A_9 = arith.constant 0 : i32
    %eq3A_10 = arith.cmpi eq, %arg1, %eq3A_9 : i32
    %convert_element_type3A_11 = arith.extui %eq3A_10 : i1 to i32
    %cond3A_12 = arith.constant 0 : i32
    %cond3A_13 = arith.cmpi ne, %convert_element_type3A_11, %cond3A_12 : i32
    scf.if %cond3A_13 {
      "tpu.region"() ({
        %run_scoped3A = tpu.sem_alloc : memref<!tpu.dma_semaphore, #tpu.memory_space<semaphore_mem>>
        %dma_start3A = arith.constant 0 : i32
        %dma_start3A_14 = arith.constant 0 : i32
        %dma_start3A_15 = tpu.memref_slice %arg5[%arg0, %dma_start3A, %dma_start3A_14] : memref<2x10000x8xf32, #tpu.memory_space<hbm>> -> memref<1x10000x8xf32, #tpu.memory_space<hbm>>
        %dma_start3A_16 = tpu.memref_squeeze %dma_start3A_15 : memref<1x10000x8xf32, #tpu.memory_space<hbm>> -> memref<10000x8xf32, #tpu.memory_space<hbm>>
        tpu.enqueue_dma source(%arg8 : memref<10000x8xf32, #tpu.memory_space<vmem_shared>>) target(%dma_start3A_16 : memref<10000x8xf32, #tpu.memory_space<hbm>>) target_semaphore(%run_scoped3A : memref<!tpu.dma_semaphore, #tpu.memory_space<semaphore_mem>>)
        %dma_wait3A = arith.constant 0 : i32
        %dma_wait3A_17 = arith.constant 0 : i32
        %dma_wait3A_18 = tpu.memref_slice %arg5[%arg0, %dma_wait3A, %dma_wait3A_17] : memref<2x10000x8xf32, #tpu.memory_space<hbm>> -> memref<1x10000x8xf32, #tpu.memory_space<hbm>>
        %dma_wait3A_19 = tpu.memref_squeeze %dma_wait3A_18 : memref<1x10000x8xf32, #tpu.memory_space<hbm>> -> memref<10000x8xf32, #tpu.memory_space<hbm>>
        tpu.wait_dma2 semaphore(%run_scoped3A : memref<!tpu.dma_semaphore, #tpu.memory_space<semaphore_mem>>) src(%arg8 : memref<10000x8xf32, #tpu.memory_space<vmem_shared>>) dst(%dma_wait3A_19 : memref<10000x8xf32, #tpu.memory_space<hbm>>)
        tpu.yield
      }) : () -> ()
    } else {
    }
    return
  }
}

module attributes {stable_mosaic.version = 14 : i64} {
  func.func @_emat_body(%arg0: i32, %arg1: memref<2000x128xf32, #tpu.memory_space<vmem>>, %arg2: memref<128x128xf32, #tpu.memory_space<vmem>>, %arg3: memref<2000x128xf32, #tpu.memory_space<vmem>>) attributes {dimension_semantics = [#tpu.dimension_semantics<arbitrary>], iteration_bounds = array<i64: 160>, scalar_prefetch = 0 : i64, scratch_operands = 0 : i64, tpu.core_type = #tpu.core_type<tc>, window_params = [{transform_indices = @transform_0, window_bounds = array<i64: 2000, 128>}, {pipeline_mode = #tpu.pipeline_mode<synchronous>, transform_indices = @transform_1, window_bounds = array<i64: 128, 128>}, {transform_indices = @transform_2, window_bounds = array<i64: 2000, 128>}]} {
    %get3A = arith.constant 0 : index
    %get3A_0 = arith.constant 0 : index
    %get3A_1 = vector.load %arg1[%get3A, %get3A_0] : memref<2000x128xf32, #tpu.memory_space<vmem>>, vector<2000x128xf32>
    %get3A_2 = arith.constant 0 : index
    %get3A_3 = arith.constant 0 : index
    %get3A_4 = vector.load %arg2[%get3A_2, %get3A_3] : memref<128x128xf32, #tpu.memory_space<vmem>>, vector<128x128xf32>
    %dot_general3A = arith.constant dense<0.000000e+00> : vector<2000x128xf32>
    %dot_general3A_5 = tpu.matmul %get3A_1, %get3A_4, %dot_general3A {dimension_numbers = #tpu.dot_dimension_numbers<[1], [0], [0], [1], [0, 0, 1, 1], [], []>, transpose_lhs_hint = false} : vector<2000x128xf32>, vector<128x128xf32>, vector<2000x128xf32> -> vector<2000x128xf32>
    %swap3A = arith.constant 0 : index
    %swap3A_6 = arith.constant 0 : index
    %swap3A_7 = vector.load %arg3[%swap3A, %swap3A_6] : memref<2000x128xf32, #tpu.memory_space<vmem>>, vector<2000x128xf32>
    tpu.vector_store %arg3[%swap3A, %swap3A_6], %dot_general3A_5 {strides = array<i32>} : memref<2000x128xf32, #tpu.memory_space<vmem>>, vector<2000x128xf32>,
    return
  }
  func.func @transform_0(%arg0: i32) -> (i32, i32) {
    %c0_i32 = arith.constant 0 : i32
    %c0_i32_0 = arith.constant 0 : i32
    return %arg0, %c0_i32 : i32, i32
  }
  func.func @transform_1(%arg0: i32) -> (i32, i32) {
    %c0_i32 = arith.constant 0 : i32
    %c0_i32_0 = arith.constant 0 : i32
    %c0_i32_1 = arith.constant 0 : i32
    return %c0_i32, %c0_i32_0 : i32, i32
  }
  func.func @transform_2(%arg0: i32) -> (i32, i32) {
    %c0_i32 = arith.constant 0 : i32
    %c0_i32_0 = arith.constant 0 : i32
    return %arg0, %c0_i32 : i32, i32
  }
}

module attributes {stable_mosaic.version = 14 : i64} {
  func.func @_prelude_body(%arg0: i32, %arg1: memref<1000x128xf32, #tpu.memory_space<vmem>>, %arg2: memref<128xf32, #tpu.memory_space<vmem>>, %arg3: memref<128x128xf32, #tpu.memory_space<vmem>>, %arg4: memref<128xf32, #tpu.memory_space<vmem>>, %arg5: memref<128x128xf32, #tpu.memory_space<vmem>>, %arg6: memref<128xf32, #tpu.memory_space<vmem>>, %arg7: memref<1000x128xf32, #tpu.memory_space<vmem>>, %arg8: memref<1000x128xf32, #tpu.memory_space<vmem>>) attributes {dimension_semantics = [#tpu.dimension_semantics<arbitrary>], iteration_bounds = array<i64: 10>, scalar_prefetch = 0 : i64, scratch_operands = 0 : i64, tpu.core_type = #tpu.core_type<tc>, window_params = [{transform_indices = @transform_0, window_bounds = array<i64: 1000, 128>}, {pipeline_mode = #tpu.pipeline_mode<synchronous>, transform_indices = @transform_1, window_bounds = array<i64: 128>}, {pipeline_mode = #tpu.pipeline_mode<synchronous>, transform_indices = @transform_2, window_bounds = array<i64: 128, 128>}, {pipeline_mode = #tpu.pipeline_mode<synchronous>, transform_indices = @transform_3, window_bounds = array<i64: 128>}, {pipeline_mode = #tpu.pipeline_mode<synchronous>, transform_indices = @transform_4, window_bounds = array<i64: 128, 128>}, {pipeline_mode = #tpu.pipeline_mode<synchronous>, transform_indices = @transform_5, window_bounds = array<i64: 128>}, {transform_indices = @transform_6, window_bounds = array<i64: 1000, 128>}, {transform_indices = @transform_7, window_bounds = array<i64: 1000, 128>}]} {
    %get3A = arith.constant 0 : index
    %get3A_0 = arith.constant 0 : index
    %get3A_1 = vector.load %arg1[%get3A, %get3A_0] : memref<1000x128xf32, #tpu.memory_space<vmem>>, vector<1000x128xf32>
    %get3A_2 = arith.constant 0 : index
    %get3A_3 = vector.load %arg2[%get3A_2] : memref<128xf32, #tpu.memory_space<vmem>>, vector<128xf32>
    %reduce_sum3A = arith.constant dense<0.000000e+00> : vector<1000xf32>
    %reduce_sum3A_4 = vector.multi_reduction <add>, %get3A_1, %reduce_sum3A [1] : vector<1000x128xf32> to vector<1000xf32>
    %broadcast_in_dim3A = vector.shape_cast %reduce_sum3A_4 : vector<1000xf32> to vector<1000x1xf32>
    %div3A = arith.constant 1.280000e+02 : f32
    %div3A_5 = vector.broadcast %div3A : f32 to vector<1000x1xf32>
    %div3A_6 = arith.divf %broadcast_in_dim3A, %div3A_5 : vector<1000x1xf32>
    %sub3A = vector.broadcast %div3A_6 : vector<1000x1xf32> to vector<1000x128xf32>
    %sub3A_7 = arith.subf %get3A_1, %sub3A : vector<1000x128xf32>
    %integer_pow3A = arith.mulf %sub3A_7, %sub3A_7 : vector<1000x128xf32>
    %reduce_sum3A_8 = arith.constant dense<0.000000e+00> : vector<1000xf32>
    %reduce_sum3A_9 = vector.multi_reduction <add>, %integer_pow3A, %reduce_sum3A_8 [1] : vector<1000x128xf32> to vector<1000xf32>
    %broadcast_in_dim3A_10 = vector.shape_cast %reduce_sum3A_9 : vector<1000xf32> to vector<1000x1xf32>
    %div3A_11 = arith.constant 1.280000e+02 : f32
    %div3A_12 = vector.broadcast %div3A_11 : f32 to vector<1000x1xf32>
    %div3A_13 = arith.divf %broadcast_in_dim3A_10, %div3A_12 : vector<1000x1xf32>
    %sub3A_14 = vector.broadcast %div3A_6 : vector<1000x1xf32> to vector<1000x128xf32>
    %sub3A_15 = arith.subf %get3A_1, %sub3A_14 : vector<1000x128xf32>
    %add3A = arith.constant 9.99999974E-6 : f32
    %add3A_16 = vector.broadcast %add3A : f32 to vector<1000x1xf32>
    %add3A_17 = arith.addf %div3A_13, %add3A_16 : vector<1000x1xf32>
    %sqrt3A = math.sqrt %add3A_17 : vector<1000x1xf32>
    %div3A_18 = vector.broadcast %sqrt3A : vector<1000x1xf32> to vector<1000x128xf32>
    %div3A_19 = arith.divf %sub3A_15, %div3A_18 : vector<1000x128xf32>
    %broadcast_in_dim3A_20 = vector.shape_cast %get3A_3 : vector<128xf32> to vector<1x128xf32>
    %mul3A = vector.broadcast %broadcast_in_dim3A_20 : vector<1x128xf32> to vector<1000x128xf32>
    %mul3A_21 = arith.mulf %div3A_19, %mul3A : vector<1000x128xf32>
    %get3A_22 = arith.constant 0 : index
    %get3A_23 = arith.constant 0 : index
    %get3A_24 = vector.load %arg3[%get3A_22, %get3A_23] : memref<128x128xf32, #tpu.memory_space<vmem>>, vector<128x128xf32>
    %dot_general3A = arith.constant dense<0.000000e+00> : vector<1000x128xf32>
    %dot_general3A_25 = tpu.matmul %mul3A_21, %get3A_24, %dot_general3A {dimension_numbers = #tpu.dot_dimension_numbers<[1], [0], [0], [1], [0, 0, 1, 1], [], []>, transpose_lhs_hint = false} : vector<1000x128xf32>, vector<128x128xf32>, vector<1000x128xf32> -> vector<1000x128xf32>
    %get3A_26 = arith.constant 0 : index
    %get3A_27 = vector.load %arg4[%get3A_26] : memref<128xf32, #tpu.memory_space<vmem>>, vector<128xf32>
    %broadcast_in_dim3A_28 = vector.shape_cast %get3A_27 : vector<128xf32> to vector<1x128xf32>
    %add3A_29 = vector.broadcast %broadcast_in_dim3A_28 : vector<1x128xf32> to vector<1000x128xf32>
    %add3A_30 = arith.addf %dot_general3A_25, %add3A_29 : vector<1000x128xf32>
    %swap3A = arith.constant 0 : index
    %swap3A_31 = arith.constant 0 : index
    %swap3A_32 = vector.load %arg7[%swap3A, %swap3A_31] : memref<1000x128xf32, #tpu.memory_space<vmem>>, vector<1000x128xf32>
    tpu.vector_store %arg7[%swap3A, %swap3A_31], %add3A_30 {strides = array<i32>} : memref<1000x128xf32, #tpu.memory_space<vmem>>, vector<1000x128xf32>,
    %get3A_33 = arith.constant 0 : index
    %get3A_34 = arith.constant 0 : index
    %get3A_35 = vector.load %arg5[%get3A_33, %get3A_34] : memref<128x128xf32, #tpu.memory_space<vmem>>, vector<128x128xf32>
    %dot_general3A_36 = arith.constant dense<0.000000e+00> : vector<1000x128xf32>
    %dot_general3A_37 = tpu.matmul %mul3A_21, %get3A_35, %dot_general3A_36 {dimension_numbers = #tpu.dot_dimension_numbers<[1], [0], [0], [1], [0, 0, 1, 1], [], []>, transpose_lhs_hint = false} : vector<1000x128xf32>, vector<128x128xf32>, vector<1000x128xf32> -> vector<1000x128xf32>
    %get3A_38 = arith.constant 0 : index
    %get3A_39 = vector.load %arg6[%get3A_38] : memref<128xf32, #tpu.memory_space<vmem>>, vector<128xf32>
    %broadcast_in_dim3A_40 = vector.shape_cast %get3A_39 : vector<128xf32> to vector<1x128xf32>
    %add3A_41 = vector.broadcast %broadcast_in_dim3A_40 : vector<1x128xf32> to vector<1000x128xf32>
    %add3A_42 = arith.addf %dot_general3A_37, %add3A_41 : vector<1000x128xf32>
    %swap3A_43 = arith.constant 0 : index
    %swap3A_44 = arith.constant 0 : index
    %swap3A_45 = vector.load %arg8[%swap3A_43, %swap3A_44] : memref<1000x128xf32, #tpu.memory_space<vmem>>, vector<1000x128xf32>
    tpu.vector_store %arg8[%swap3A_43, %swap3A_44], %add3A_42 {strides = array<i32>} : memref<1000x128xf32, #tpu.memory_space<vmem>>, vector<1000x128xf32>,
    return
  }
  func.func @transform_0(%arg0: i32) -> (i32, i32) {
    %c0_i32 = arith.constant 0 : i32
    %c0_i32_0 = arith.constant 0 : i32
    return %arg0, %c0_i32 : i32, i32
  }
  func.func @transform_1(%arg0: i32) -> i32 {
    %c0_i32 = arith.constant 0 : i32
    %c0_i32_0 = arith.constant 0 : i32
    return %c0_i32 : i32
  }
  func.func @transform_2(%arg0: i32) -> (i32, i32) {
    %c0_i32 = arith.constant 0 : i32
    %c0_i32_0 = arith.constant 0 : i32
    %c0_i32_1 = arith.constant 0 : i32
    return %c0_i32, %c0_i32_0 : i32, i32
  }
  func.func @transform_3(%arg0: i32) -> i32 {
    %c0_i32 = arith.constant 0 : i32
    %c0_i32_0 = arith.constant 0 : i32
    return %c0_i32 : i32
  }
  func.func @transform_4(%arg0: i32) -> (i32, i32) {
    %c0_i32 = arith.constant 0 : i32
    %c0_i32_0 = arith.constant 0 : i32
    %c0_i32_1 = arith.constant 0 : i32
    return %c0_i32, %c0_i32_0 : i32, i32
  }
  func.func @transform_5(%arg0: i32) -> i32 {
    %c0_i32 = arith.constant 0 : i32
    %c0_i32_0 = arith.constant 0 : i32
    return %c0_i32 : i32
  }
  func.func @transform_6(%arg0: i32) -> (i32, i32) {
    %c0_i32 = arith.constant 0 : i32
    %c0_i32_0 = arith.constant 0 : i32
    return %arg0, %c0_i32 : i32, i32
  }
  func.func @transform_7(%arg0: i32) -> (i32, i32) {
    %c0_i32 = arith.constant 0 : i32
    %c0_i32_0 = arith.constant 0 : i32
    return %arg0, %c0_i32 : i32, i32
  }
}

module attributes {stable_mosaic.version = 14 : i64} {
  func.func @_tc1_body(%arg0: i32, %arg1: memref<2000x128xf32, #tpu.memory_space<vmem>>, %arg2: memref<2000x128xf32, #tpu.memory_space<vmem>>, %arg3: memref<2000x128xf32, #tpu.memory_space<vmem>>, %arg4: memref<1x128xf32, #tpu.memory_space<vmem>>, %arg5: memref<2000x8xf32, #tpu.memory_space<vmem>>) attributes {dimension_semantics = [#tpu.dimension_semantics<arbitrary>], iteration_bounds = array<i64: 160>, scalar_prefetch = 0 : i64, scratch_operands = 0 : i64, tpu.core_type = #tpu.core_type<tc>, window_params = [{transform_indices = @transform_0, window_bounds = array<i64: 2000, 128>}, {transform_indices = @transform_1, window_bounds = array<i64: 2000, 128>}, {transform_indices = @transform_2, window_bounds = array<i64: 2000, 128>}, {pipeline_mode = #tpu.pipeline_mode<synchronous>, transform_indices = @transform_3, window_bounds = array<i64: 1, 128>}, {transform_indices = @transform_4, window_bounds = array<i64: 2000, 8>}]} {
    %get3A = arith.constant 0 : index
    %get3A_0 = arith.constant 0 : index
    %get3A_1 = vector.load %arg1[%get3A, %get3A_0] : memref<2000x128xf32, #tpu.memory_space<vmem>>, vector<2000x128xf32>
    %get3A_2 = arith.constant 0 : index
    %get3A_3 = arith.constant 0 : index
    %get3A_4 = vector.load %arg2[%get3A_2, %get3A_3] : memref<2000x128xf32, #tpu.memory_space<vmem>>, vector<2000x128xf32>
    %add3A = arith.addf %get3A_1, %get3A_4 : vector<2000x128xf32>
    %get3A_5 = arith.constant 0 : index
    %get3A_6 = arith.constant 0 : index
    %get3A_7 = vector.load %arg3[%get3A_5, %get3A_6] : memref<2000x128xf32, #tpu.memory_space<vmem>>, vector<2000x128xf32>
    %add3A_8 = arith.addf %add3A, %get3A_7 : vector<2000x128xf32>
    %gt3A = arith.constant 0.000000e+00 : f32
    %gt3A_9 = vector.broadcast %gt3A : f32 to vector<2000x128xf32>
    %gt3A_10 = arith.cmpf ogt, %add3A_8, %gt3A_9 : vector<2000x128xf32>
    %mul3A = arith.constant 2.000000e-01 : f32
    %mul3A_11 = vector.broadcast %mul3A : f32 to vector<2000x128xf32>
    %mul3A_12 = arith.mulf %mul3A_11, %add3A_8 : vector<2000x128xf32>
    %select_n3A = arith.select %gt3A_10, %add3A_8, %mul3A_12 : vector<2000x128xi1>, vector<2000x128xf32>
    %get3A_13 = arith.constant 0 : index
    %get3A_14 = arith.constant 0 : index
    %get3A_15 = vector.load %arg4[%get3A_13, %get3A_14] : memref<1x128xf32, #tpu.memory_space<vmem>>, vector<1x128xf32>
    %mul3A_16 = vector.broadcast %get3A_15 : vector<1x128xf32> to vector<2000x128xf32>
    %mul3A_17 = arith.mulf %select_n3A, %mul3A_16 : vector<2000x128xf32>
    %slice3A = vector.extract_strided_slice %mul3A_17 {offsets = [0, 0], sizes = [2000, 16], strides = [1, 1]} : vector<2000x128xf32> to vector<2000x16xf32>
    %reduce_sum3A = arith.constant dense<0.000000e+00> : vector<2000xf32>
    %reduce_sum3A_18 = vector.multi_reduction <add>, %slice3A, %reduce_sum3A [1] : vector<2000x16xf32> to vector<2000xf32>
    %broadcast_in_dim3A = vector.shape_cast %reduce_sum3A_18 : vector<2000xf32> to vector<2000x1xf32>
    %slice3A_19 = vector.extract_strided_slice %mul3A_17 {offsets = [0, 16], sizes = [2000, 16], strides = [1, 1]} : vector<2000x128xf32> to vector<2000x16xf32>
    %reduce_sum3A_20 = arith.constant dense<0.000000e+00> : vector<2000xf32>
    %reduce_sum3A_21 = vector.multi_reduction <add>, %slice3A_19, %reduce_sum3A_20 [1] : vector<2000x16xf32> to vector<2000xf32>
    %broadcast_in_dim3A_22 = vector.shape_cast %reduce_sum3A_21 : vector<2000xf32> to vector<2000x1xf32>
    %slice3A_23 = vector.extract_strided_slice %mul3A_17 {offsets = [0, 32], sizes = [2000, 16], strides = [1, 1]} : vector<2000x128xf32> to vector<2000x16xf32>
    %reduce_sum3A_24 = arith.constant dense<0.000000e+00> : vector<2000xf32>
    %reduce_sum3A_25 = vector.multi_reduction <add>, %slice3A_23, %reduce_sum3A_24 [1] : vector<2000x16xf32> to vector<2000xf32>
    %broadcast_in_dim3A_26 = vector.shape_cast %reduce_sum3A_25 : vector<2000xf32> to vector<2000x1xf32>
    %slice3A_27 = vector.extract_strided_slice %mul3A_17 {offsets = [0, 48], sizes = [2000, 16], strides = [1, 1]} : vector<2000x128xf32> to vector<2000x16xf32>
    %reduce_sum3A_28 = arith.constant dense<0.000000e+00> : vector<2000xf32>
    %reduce_sum3A_29 = vector.multi_reduction <add>, %slice3A_27, %reduce_sum3A_28 [1] : vector<2000x16xf32> to vector<2000xf32>
    %broadcast_in_dim3A_30 = vector.shape_cast %reduce_sum3A_29 : vector<2000xf32> to vector<2000x1xf32>
    %slice3A_31 = vector.extract_strided_slice %mul3A_17 {offsets = [0, 64], sizes = [2000, 16], strides = [1, 1]} : vector<2000x128xf32> to vector<2000x16xf32>
    %reduce_sum3A_32 = arith.constant dense<0.000000e+00> : vector<2000xf32>
    %reduce_sum3A_33 = vector.multi_reduction <add>, %slice3A_31, %reduce_sum3A_32 [1] : vector<2000x16xf32> to vector<2000xf32>
    %broadcast_in_dim3A_34 = vector.shape_cast %reduce_sum3A_33 : vector<2000xf32> to vector<2000x1xf32>
    %slice3A_35 = vector.extract_strided_slice %mul3A_17 {offsets = [0, 80], sizes = [2000, 16], strides = [1, 1]} : vector<2000x128xf32> to vector<2000x16xf32>
    %reduce_sum3A_36 = arith.constant dense<0.000000e+00> : vector<2000xf32>
    %reduce_sum3A_37 = vector.multi_reduction <add>, %slice3A_35, %reduce_sum3A_36 [1] : vector<2000x16xf32> to vector<2000xf32>
    %broadcast_in_dim3A_38 = vector.shape_cast %reduce_sum3A_37 : vector<2000xf32> to vector<2000x1xf32>
    %slice3A_39 = vector.extract_strided_slice %mul3A_17 {offsets = [0, 96], sizes = [2000, 16], strides = [1, 1]} : vector<2000x128xf32> to vector<2000x16xf32>
    %reduce_sum3A_40 = arith.constant dense<0.000000e+00> : vector<2000xf32>
    %reduce_sum3A_41 = vector.multi_reduction <add>, %slice3A_39, %reduce_sum3A_40 [1] : vector<2000x16xf32> to vector<2000xf32>
    %broadcast_in_dim3A_42 = vector.shape_cast %reduce_sum3A_41 : vector<2000xf32> to vector<2000x1xf32>
    %slice3A_43 = vector.extract_strided_slice %mul3A_17 {offsets = [0, 112], sizes = [2000, 16], strides = [1, 1]} : vector<2000x128xf32> to vector<2000x16xf32>
    %reduce_sum3A_44 = arith.constant dense<0.000000e+00> : vector<2000xf32>
    %reduce_sum3A_45 = vector.multi_reduction <add>, %slice3A_43, %reduce_sum3A_44 [1] : vector<2000x16xf32> to vector<2000xf32>
    %broadcast_in_dim3A_46 = vector.shape_cast %reduce_sum3A_45 : vector<2000xf32> to vector<2000x1xf32>
    %concatenate3A = tpu.concatenate %broadcast_in_dim3A, %broadcast_in_dim3A_22, %broadcast_in_dim3A_26, %broadcast_in_dim3A_30, %broadcast_in_dim3A_34, %broadcast_in_dim3A_38, %broadcast_in_dim3A_42, %broadcast_in_dim3A_46 in 1 : vector<2000x1xf32>, vector<2000x1xf32>, vector<2000x1xf32>, vector<2000x1xf32>, vector<2000x1xf32>, vector<2000x1xf32>, vector<2000x1xf32>, vector<2000x1xf32> -> vector<2000x8xf32>
    %exp3A = math.exp %concatenate3A : vector<2000x8xf32>
    %swap3A = arith.constant 0 : index
    %swap3A_47 = arith.constant 0 : index
    %swap3A_48 = vector.load %arg5[%swap3A, %swap3A_47] : memref<2000x8xf32, #tpu.memory_space<vmem>>, vector<2000x8xf32>
    tpu.vector_store %arg5[%swap3A, %swap3A_47], %exp3A {strides = array<i32>} : memref<2000x8xf32, #tpu.memory_space<vmem>>, vector<2000x8xf32>,
    return
  }
  func.func @transform_0(%arg0: i32) -> (i32, i32) {
    %c0_i32 = arith.constant 0 : i32
    %c0_i32_0 = arith.constant 0 : i32
    return %arg0, %c0_i32 : i32, i32
  }
  func.func @transform_1(%arg0: i32) -> (i32, i32) {
    %c0_i32 = arith.constant 0 : i32
    %c0_i32_0 = arith.constant 0 : i32
    return %arg0, %c0_i32 : i32, i32
  }
  func.func @transform_2(%arg0: i32) -> (i32, i32) {
    %c0_i32 = arith.constant 0 : i32
    %c0_i32_0 = arith.constant 0 : i32
    return %arg0, %c0_i32 : i32, i32
  }
  func.func @transform_3(%arg0: i32) -> (i32, i32) {
    %c0_i32 = arith.constant 0 : i32
    %c0_i32_0 = arith.constant 0 : i32
    %c0_i32_1 = arith.constant 0 : i32
    return %c0_i32, %c0_i32_0 : i32, i32
  }
  func.func @transform_4(%arg0: i32) -> (i32, i32) {
    %c0_i32 = arith.constant 0 : i32
    %c0_i32_0 = arith.constant 0 : i32
    return %arg0, %c0_i32 : i32, i32
  }
}

module attributes {stable_mosaic.version = 14 : i64} {
  func.func @_dsum_body(%arg0: memref<2x625x128xf32, #tpu.memory_space<vmem>>, %arg1: memref<625x128xf32, #tpu.memory_space<vmem>>) attributes {dimension_semantics = [], scalar_prefetch = 0 : i64, scratch_operands = 0 : i64, tpu.core_type = #tpu.core_type<tc>} {
    %get3A = arith.constant 0 : index
    %get3A_0 = arith.constant 0 : index
    %get3A_1 = arith.constant 0 : index
    %get3A_2 = vector.load %arg0[%get3A, %get3A_0, %get3A_1] : memref<2x625x128xf32, #tpu.memory_space<vmem>>, vector<1x625x128xf32>
    %get3A_3 = vector.shape_cast %get3A_2 : vector<1x625x128xf32> to vector<625x128xf32>
    %get3A_4 = arith.constant 1 : index
    %get3A_5 = arith.constant 0 : index
    %get3A_6 = arith.constant 0 : index
    %get3A_7 = vector.load %arg0[%get3A_4, %get3A_5, %get3A_6] : memref<2x625x128xf32, #tpu.memory_space<vmem>>, vector<1x625x128xf32>
    %get3A_8 = vector.shape_cast %get3A_7 : vector<1x625x128xf32> to vector<625x128xf32>
    %add3A = arith.addf %get3A_3, %get3A_8 : vector<625x128xf32>
    %swap3A = arith.constant 0 : index
    %swap3A_9 = arith.constant 0 : index
    %swap3A_10 = vector.load %arg1[%swap3A, %swap3A_9] : memref<625x128xf32, #tpu.memory_space<vmem>>, vector<625x128xf32>
    tpu.vector_store %arg1[%swap3A, %swap3A_9], %add3A {strides = array<i32>} : memref<625x128xf32, #tpu.memory_space<vmem>>, vector<625x128xf32>,
    return
  }
}

module attributes {stable_mosaic.version = 14 : i64} {
  func.func @_tc2_body(%arg0: i32, %arg1: memref<2000x128xf32, #tpu.memory_space<vmem>>, %arg2: memref<2000x8xf32, #tpu.memory_space<vmem>>, %arg3: memref<2000x8xf32, #tpu.memory_space<vmem>>, %arg4: memref<2000x128xf32, #tpu.memory_space<vmem>>) attributes {dimension_semantics = [#tpu.dimension_semantics<arbitrary>], iteration_bounds = array<i64: 160>, scalar_prefetch = 0 : i64, scratch_operands = 0 : i64, tpu.core_type = #tpu.core_type<tc>, window_params = [{transform_indices = @transform_0, window_bounds = array<i64: 2000, 128>}, {transform_indices = @transform_1, window_bounds = array<i64: 2000, 8>}, {transform_indices = @transform_2, window_bounds = array<i64: 2000, 8>}, {transform_indices = @transform_3, window_bounds = array<i64: 2000, 128>}]} {
    %get3A = arith.constant 0 : index
    %get3A_0 = arith.constant 0 : index
    %get3A_1 = vector.load %arg2[%get3A, %get3A_0] : memref<2000x8xf32, #tpu.memory_space<vmem>>, vector<2000x8xf32>
    %get3A_2 = arith.constant 0 : index
    %get3A_3 = arith.constant 0 : index
    %get3A_4 = vector.load %arg3[%get3A_2, %get3A_3] : memref<2000x8xf32, #tpu.memory_space<vmem>>, vector<2000x8xf32>
    %add3A = arith.constant 1.000000e-16 : f32
    %add3A_5 = vector.broadcast %add3A : f32 to vector<2000x8xf32>
    %add3A_6 = arith.addf %get3A_4, %add3A_5 : vector<2000x8xf32>
    %div3A = arith.divf %get3A_1, %add3A_6 : vector<2000x8xf32>
    %get3A_7 = arith.constant 0 : index
    %get3A_8 = arith.constant 0 : index
    %get3A_9 = vector.load %arg1[%get3A_7, %get3A_8] : memref<2000x128xf32, #tpu.memory_space<vmem>>, vector<2000x128xf32>
    %slice3A = vector.extract_strided_slice %get3A_9 {offsets = [0, 0], sizes = [2000, 16], strides = [1, 1]} : vector<2000x128xf32> to vector<2000x16xf32>
    %slice3A_10 = vector.extract_strided_slice %div3A {offsets = [0, 0], sizes = [2000, 1], strides = [1, 1]} : vector<2000x8xf32> to vector<2000x1xf32>
    %mul3A = vector.broadcast %slice3A_10 : vector<2000x1xf32> to vector<2000x16xf32>
    %mul3A_11 = arith.mulf %slice3A, %mul3A : vector<2000x16xf32>
    %slice3A_12 = vector.extract_strided_slice %get3A_9 {offsets = [0, 16], sizes = [2000, 16], strides = [1, 1]} : vector<2000x128xf32> to vector<2000x16xf32>
    %slice3A_13 = vector.extract_strided_slice %div3A {offsets = [0, 1], sizes = [2000, 1], strides = [1, 1]} : vector<2000x8xf32> to vector<2000x1xf32>
    %mul3A_14 = vector.broadcast %slice3A_13 : vector<2000x1xf32> to vector<2000x16xf32>
    %mul3A_15 = arith.mulf %slice3A_12, %mul3A_14 : vector<2000x16xf32>
    %slice3A_16 = vector.extract_strided_slice %get3A_9 {offsets = [0, 32], sizes = [2000, 16], strides = [1, 1]} : vector<2000x128xf32> to vector<2000x16xf32>
    %slice3A_17 = vector.extract_strided_slice %div3A {offsets = [0, 2], sizes = [2000, 1], strides = [1, 1]} : vector<2000x8xf32> to vector<2000x1xf32>
    %mul3A_18 = vector.broadcast %slice3A_17 : vector<2000x1xf32> to vector<2000x16xf32>
    %mul3A_19 = arith.mulf %slice3A_16, %mul3A_18 : vector<2000x16xf32>
    %slice3A_20 = vector.extract_strided_slice %get3A_9 {offsets = [0, 48], sizes = [2000, 16], strides = [1, 1]} : vector<2000x128xf32> to vector<2000x16xf32>
    %slice3A_21 = vector.extract_strided_slice %div3A {offsets = [0, 3], sizes = [2000, 1], strides = [1, 1]} : vector<2000x8xf32> to vector<2000x1xf32>
    %mul3A_22 = vector.broadcast %slice3A_21 : vector<2000x1xf32> to vector<2000x16xf32>
    %mul3A_23 = arith.mulf %slice3A_20, %mul3A_22 : vector<2000x16xf32>
    %slice3A_24 = vector.extract_strided_slice %get3A_9 {offsets = [0, 64], sizes = [2000, 16], strides = [1, 1]} : vector<2000x128xf32> to vector<2000x16xf32>
    %slice3A_25 = vector.extract_strided_slice %div3A {offsets = [0, 4], sizes = [2000, 1], strides = [1, 1]} : vector<2000x8xf32> to vector<2000x1xf32>
    %mul3A_26 = vector.broadcast %slice3A_25 : vector<2000x1xf32> to vector<2000x16xf32>
    %mul3A_27 = arith.mulf %slice3A_24, %mul3A_26 : vector<2000x16xf32>
    %slice3A_28 = vector.extract_strided_slice %get3A_9 {offsets = [0, 80], sizes = [2000, 16], strides = [1, 1]} : vector<2000x128xf32> to vector<2000x16xf32>
    %slice3A_29 = vector.extract_strided_slice %div3A {offsets = [0, 5], sizes = [2000, 1], strides = [1, 1]} : vector<2000x8xf32> to vector<2000x1xf32>
    %mul3A_30 = vector.broadcast %slice3A_29 : vector<2000x1xf32> to vector<2000x16xf32>
    %mul3A_31 = arith.mulf %slice3A_28, %mul3A_30 : vector<2000x16xf32>
    %slice3A_32 = vector.extract_strided_slice %get3A_9 {offsets = [0, 96], sizes = [2000, 16], strides = [1, 1]} : vector<2000x128xf32> to vector<2000x16xf32>
    %slice3A_33 = vector.extract_strided_slice %div3A {offsets = [0, 6], sizes = [2000, 1], strides = [1, 1]} : vector<2000x8xf32> to vector<2000x1xf32>
    %mul3A_34 = vector.broadcast %slice3A_33 : vector<2000x1xf32> to vector<2000x16xf32>
    %mul3A_35 = arith.mulf %slice3A_32, %mul3A_34 : vector<2000x16xf32>
    %slice3A_36 = vector.extract_strided_slice %get3A_9 {offsets = [0, 112], sizes = [2000, 16], strides = [1, 1]} : vector<2000x128xf32> to vector<2000x16xf32>
    %slice3A_37 = vector.extract_strided_slice %div3A {offsets = [0, 7], sizes = [2000, 1], strides = [1, 1]} : vector<2000x8xf32> to vector<2000x1xf32>
    %mul3A_38 = vector.broadcast %slice3A_37 : vector<2000x1xf32> to vector<2000x16xf32>
    %mul3A_39 = arith.mulf %slice3A_36, %mul3A_38 : vector<2000x16xf32>
    %concatenate3A = tpu.concatenate %mul3A_11, %mul3A_15, %mul3A_19, %mul3A_23, %mul3A_27, %mul3A_31, %mul3A_35, %mul3A_39 in 1 : vector<2000x16xf32>, vector<2000x16xf32>, vector<2000x16xf32>, vector<2000x16xf32>, vector<2000x16xf32>, vector<2000x16xf32>, vector<2000x16xf32>, vector<2000x16xf32> -> vector<2000x128xf32>
    %swap3A = arith.constant 0 : index
    %swap3A_40 = arith.constant 0 : index
    %swap3A_41 = vector.load %arg4[%swap3A, %swap3A_40] : memref<2000x128xf32, #tpu.memory_space<vmem>>, vector<2000x128xf32>
    tpu.vector_store %arg4[%swap3A, %swap3A_40], %concatenate3A {strides = array<i32>} : memref<2000x128xf32, #tpu.memory_space<vmem>>, vector<2000x128xf32>,
    return
  }
  func.func @transform_0(%arg0: i32) -> (i32, i32) {
    %c0_i32 = arith.constant 0 : i32
    %c0_i32_0 = arith.constant 0 : i32
    return %arg0, %c0_i32 : i32, i32
  }
  func.func @transform_1(%arg0: i32) -> (i32, i32) {
    %c0_i32 = arith.constant 0 : i32
    %c0_i32_0 = arith.constant 0 : i32
    return %arg0, %c0_i32 : i32, i32
  }
  func.func @transform_2(%arg0: i32) -> (i32, i32) {
    %c0_i32 = arith.constant 0 : i32
    %c0_i32_0 = arith.constant 0 : i32
    return %arg0, %c0_i32 : i32, i32
  }
  func.func @transform_3(%arg0: i32) -> (i32, i32) {
    %c0_i32 = arith.constant 0 : i32
    %c0_i32_0 = arith.constant 0 : i32
    return %arg0, %c0_i32 : i32, i32
  }
}

module attributes {stable_mosaic.version = 14 : i64} {
  func.func @_final_body(%arg0: i32, %arg1: memref<1000x128xf32, #tpu.memory_space<vmem>>, %arg2: memref<2x1000x128xf32, #tpu.memory_space<vmem>>, %arg3: memref<128xf32, #tpu.memory_space<vmem>>, %arg4: memref<128xf32, #tpu.memory_space<vmem>>, %arg5: memref<128x512xf32, #tpu.memory_space<vmem>>, %arg6: memref<512x128xf32, #tpu.memory_space<vmem>>, %arg7: memref<1000x128xf32, #tpu.memory_space<vmem>>) attributes {dimension_semantics = [#tpu.dimension_semantics<arbitrary>], iteration_bounds = array<i64: 10>, scalar_prefetch = 0 : i64, scratch_operands = 0 : i64, tpu.core_type = #tpu.core_type<tc>, window_params = [{transform_indices = @transform_0, window_bounds = array<i64: 1000, 128>}, {transform_indices = @transform_1, window_bounds = array<i64: 2, 1000, 128>}, {pipeline_mode = #tpu.pipeline_mode<synchronous>, transform_indices = @transform_2, window_bounds = array<i64: 128>}, {pipeline_mode = #tpu.pipeline_mode<synchronous>, transform_indices = @transform_3, window_bounds = array<i64: 128>}, {pipeline_mode = #tpu.pipeline_mode<synchronous>, transform_indices = @transform_4, window_bounds = array<i64: 128, 512>}, {pipeline_mode = #tpu.pipeline_mode<synchronous>, transform_indices = @transform_5, window_bounds = array<i64: 512, 128>}, {transform_indices = @transform_6, window_bounds = array<i64: 1000, 128>}]} {
    %get3A = arith.constant 0 : index
    %get3A_0 = arith.constant 0 : index
    %get3A_1 = arith.constant 0 : index
    %get3A_2 = vector.load %arg2[%get3A, %get3A_0, %get3A_1] : memref<2x1000x128xf32, #tpu.memory_space<vmem>>, vector<1x1000x128xf32>
    %get3A_3 = vector.shape_cast %get3A_2 : vector<1x1000x128xf32> to vector<1000x128xf32>
    %get3A_4 = arith.constant 1 : index
    %get3A_5 = arith.constant 0 : index
    %get3A_6 = arith.constant 0 : index
    %get3A_7 = vector.load %arg2[%get3A_4, %get3A_5, %get3A_6] : memref<2x1000x128xf32, #tpu.memory_space<vmem>>, vector<1x1000x128xf32>
    %get3A_8 = vector.shape_cast %get3A_7 : vector<1x1000x128xf32> to vector<1000x128xf32>
    %add3A = arith.addf %get3A_3, %get3A_8 : vector<1000x128xf32>
    %get3A_9 = arith.constant 0 : index
    %get3A_10 = vector.load %arg3[%get3A_9] : memref<128xf32, #tpu.memory_space<vmem>>, vector<128xf32>
    %broadcast_in_dim3A = vector.shape_cast %get3A_10 : vector<128xf32> to vector<1x128xf32>
    %add3A_11 = vector.broadcast %broadcast_in_dim3A : vector<1x128xf32> to vector<1000x128xf32>
    %add3A_12 = arith.addf %add3A, %add3A_11 : vector<1000x128xf32>
    %get3A_13 = arith.constant 0 : index
    %get3A_14 = arith.constant 0 : index
    %get3A_15 = vector.load %arg1[%get3A_13, %get3A_14] : memref<1000x128xf32, #tpu.memory_space<vmem>>, vector<1000x128xf32>
    %add3A_16 = arith.addf %get3A_15, %add3A_12 : vector<1000x128xf32>
    %get3A_17 = arith.constant 0 : index
    %get3A_18 = vector.load %arg4[%get3A_17] : memref<128xf32, #tpu.memory_space<vmem>>, vector<128xf32>
    %reduce_sum3A = arith.constant dense<0.000000e+00> : vector<1000xf32>
    %reduce_sum3A_19 = vector.multi_reduction <add>, %add3A_16, %reduce_sum3A [1] : vector<1000x128xf32> to vector<1000xf32>
    %broadcast_in_dim3A_20 = vector.shape_cast %reduce_sum3A_19 : vector<1000xf32> to vector<1000x1xf32>
    %div3A = arith.constant 1.280000e+02 : f32
    %div3A_21 = vector.broadcast %div3A : f32 to vector<1000x1xf32>
    %div3A_22 = arith.divf %broadcast_in_dim3A_20, %div3A_21 : vector<1000x1xf32>
    %sub3A = vector.broadcast %div3A_22 : vector<1000x1xf32> to vector<1000x128xf32>
    %sub3A_23 = arith.subf %add3A_16, %sub3A : vector<1000x128xf32>
    %integer_pow3A = arith.mulf %sub3A_23, %sub3A_23 : vector<1000x128xf32>
    %reduce_sum3A_24 = arith.constant dense<0.000000e+00> : vector<1000xf32>
    %reduce_sum3A_25 = vector.multi_reduction <add>, %integer_pow3A, %reduce_sum3A_24 [1] : vector<1000x128xf32> to vector<1000xf32>
    %broadcast_in_dim3A_26 = vector.shape_cast %reduce_sum3A_25 : vector<1000xf32> to vector<1000x1xf32>
    %div3A_27 = arith.constant 1.280000e+02 : f32
    %div3A_28 = vector.broadcast %div3A_27 : f32 to vector<1000x1xf32>
    %div3A_29 = arith.divf %broadcast_in_dim3A_26, %div3A_28 : vector<1000x1xf32>
    %sub3A_30 = vector.broadcast %div3A_22 : vector<1000x1xf32> to vector<1000x128xf32>
    %sub3A_31 = arith.subf %add3A_16, %sub3A_30 : vector<1000x128xf32>
    %add3A_32 = arith.constant 9.99999974E-6 : f32
    %add3A_33 = vector.broadcast %add3A_32 : f32 to vector<1000x1xf32>
    %add3A_34 = arith.addf %div3A_29, %add3A_33 : vector<1000x1xf32>
    %sqrt3A = math.sqrt %add3A_34 : vector<1000x1xf32>
    %div3A_35 = vector.broadcast %sqrt3A : vector<1000x1xf32> to vector<1000x128xf32>
    %div3A_36 = arith.divf %sub3A_31, %div3A_35 : vector<1000x128xf32>
    %broadcast_in_dim3A_37 = vector.shape_cast %get3A_18 : vector<128xf32> to vector<1x128xf32>
    %mul3A = vector.broadcast %broadcast_in_dim3A_37 : vector<1x128xf32> to vector<1000x128xf32>
    %mul3A_38 = arith.mulf %div3A_36, %mul3A : vector<1000x128xf32>
    %get3A_39 = arith.constant 0 : index
    %get3A_40 = arith.constant 0 : index
    %get3A_41 = vector.load %arg5[%get3A_39, %get3A_40] : memref<128x512xf32, #tpu.memory_space<vmem>>, vector<128x512xf32>
    %dot_general3A = arith.constant dense<0.000000e+00> : vector<1000x512xf32>
    %dot_general3A_42 = tpu.matmul %mul3A_38, %get3A_41, %dot_general3A {dimension_numbers = #tpu.dot_dimension_numbers<[1], [0], [0], [1], [0, 0, 1, 1], [], []>, transpose_lhs_hint = false} : vector<1000x128xf32>, vector<128x512xf32>, vector<1000x512xf32> -> vector<1000x512xf32>
    %max3A = arith.constant 0.000000e+00 : f32
    %max3A_43 = vector.broadcast %max3A : f32 to vector<1000x512xf32>
    %max3A_44 = arith.maximumf %dot_general3A_42, %max3A_43 : vector<1000x512xf32>
    %get3A_45 = arith.constant 0 : index
    %get3A_46 = arith.constant 0 : index
    %get3A_47 = vector.load %arg6[%get3A_45, %get3A_46] : memref<512x128xf32, #tpu.memory_space<vmem>>, vector<512x128xf32>
    %dot_general3A_48 = arith.constant dense<0.000000e+00> : vector<1000x128xf32>
    %dot_general3A_49 = tpu.matmul %max3A_44, %get3A_47, %dot_general3A_48 {dimension_numbers = #tpu.dot_dimension_numbers<[1], [0], [0], [1], [0, 0, 1, 1], [], []>, transpose_lhs_hint = false} : vector<1000x512xf32>, vector<512x128xf32>, vector<1000x128xf32> -> vector<1000x128xf32>
    %add3A_50 = arith.addf %add3A_16, %dot_general3A_49 : vector<1000x128xf32>
    %swap3A = arith.constant 0 : index
    %swap3A_51 = arith.constant 0 : index
    %swap3A_52 = vector.load %arg7[%swap3A, %swap3A_51] : memref<1000x128xf32, #tpu.memory_space<vmem>>, vector<1000x128xf32>
    tpu.vector_store %arg7[%swap3A, %swap3A_51], %add3A_50 {strides = array<i32>} : memref<1000x128xf32, #tpu.memory_space<vmem>>, vector<1000x128xf32>,
    return
  }
  func.func @transform_0(%arg0: i32) -> (i32, i32) {
    %c0_i32 = arith.constant 0 : i32
    %c0_i32_0 = arith.constant 0 : i32
    return %arg0, %c0_i32 : i32, i32
  }
  func.func @transform_1(%arg0: i32) -> (i32, i32, i32) {
    %c0_i32 = arith.constant 0 : i32
    %c0_i32_0 = arith.constant 0 : i32
    %c0_i32_1 = arith.constant 0 : i32
    return %c0_i32, %arg0, %c0_i32_0 : i32, i32, i32
  }
  func.func @transform_2(%arg0: i32) -> i32 {
    %c0_i32 = arith.constant 0 : i32
    %c0_i32_0 = arith.constant 0 : i32
    return %c0_i32 : i32
  }
  func.func @transform_3(%arg0: i32) -> i32 {
    %c0_i32 = arith.constant 0 : i32
    %c0_i32_0 = arith.constant 0 : i32
    return %c0_i32 : i32
  }
  func.func @transform_4(%arg0: i32) -> (i32, i32) {
    %c0_i32 = arith.constant 0 : i32
    %c0_i32_0 = arith.constant 0 : i32
    %c0_i32_1 = arith.constant 0 : i32
    return %c0_i32, %c0_i32_0 : i32, i32
  }
  func.func @transform_5(%arg0: i32) -> (i32, i32) {
    %c0_i32 = arith.constant 0 : i32
    %c0_i32_0 = arith.constant 0 : i32
    %c0_i32_1 = arith.constant 0 : i32
    return %c0_i32, %c0_i32_0 : i32, i32
  }
  func.func @transform_6(%arg0: i32) -> (i32, i32) {
    %c0_i32 = arith.constant 0 : i32
    %c0_i32_0 = arith.constant 0 : i32
    return %arg0, %c0_i32 : i32, i32
  }
}

</mosaic_0001>

<sc_bundles>
// kernel: kernel.12.cloned.1.call-start
scs
__scs_entry_jumppad:
0x0: {  	(pc) =	sbr.rel $0x88, $3  }
0x1: {  	(tag) =	ssettag $0x0;
	lr =	simm.s32 $0x1  }
0x2: {  	[smem:$0x3F93] =	sst lr;
	_ =	strace $0xD0000000  }
0x3: {  	_ = 	snop  }
0x4: {  	_ = 	snop  }
0x5: {  	_ = 	snop  }
0x6: {  	_ = 	snop  }
0x7: {  	_ = 	snop  }
__scs_overlays_trampoline_lowered:
0x8: {  	[smem:$0x3FA2] =	sst s0  }
0x9: {  	[smem:$0x3FA3] =	sst s1  }
0xa: {  	[smem:$0x3FA4] =	sst s2  }
0xb: {  	[smem:$0x3FA5] =	sst s3  }
0xc: {  	[smem:$0x3FA6] =	sst s4  }
0xd: {  	[smem:$0x3FA7] =	sst s5  }
0xe: {  	[smem:$0x3FA8] =	sst s6  }
0xf: {  	[smem:$0x3FA9] =	sst s7  }
0x10: {  	[smem:$0x3FAA] =	sst s8  }
0x11: {  	[smem:$0x3FAB] =	sst s9;
	s0 =	simm.s32 @!p0 $0x0  }
0x12: {  	s1 =	sld [smem:$0x3F91];
	s0 =	simm.s32 @p0 $0x1  }
0x13: {  	[smem:$0x3FAC] =	sst s0;
	s0 =	simm.s32 @!p1 $0x0  }
0x14: {  	s2 =	sld [smem:$0x3F90];
	s0 =	simm.s32 @p1 $0x1  }
0x15: {  	[smem:$0x3FAD] =	sst s0;
	s0 =	simm.s32 @!p2 $0x0  }
0x16: {  	s3 =	sld [smem:$0x3FDB];
	s0 =	simm.s32 @p2 $0x1  }
0x17: {  	s4 =	simm.s32 $0x1BF5;
	[smem:$0x3FAF] =	sst s0  }
0x18: {  	s0 =	sld [smem:$0x3F92];
	_ =	swait.ge [sflag:s4], $0x0  }
0x19: {  	s7 =	sld [smem:$0x3F93]  }
0x1a: {  	s8 =	sadd.s32 $0xFFFFE003, lr  }
0x1b: {  	s9 =	sadd.s32 $0xFFFFFEF7, lr;
	s5 =	simm.s32 $0xFFFFFFFF;
	p2 =	slt.u32 s8, $0xFFFFF086  }
0x1c: {  	p1 =	slt.u32 s9, $0xF7A;
	s5 =	simm.s32 @!p2 $0x0  }
0x1d: {  	s5 =	simm.s32 @p1 $0x1;
	p0 =	seq.s32 s7, s2  }
0x1e: {  	s7 =	smul.u32 @!p0 $0xF7A, s2;
	p2 =	seq.s32 @!p0 s5, $0x0  }
0x1f: {  	s9 =	smul.u32 $0xF7A, s1;
	s8 =	simm.s32 @!p0 $0x1BF5;
	p2 =	por !p2, p0  }
0x20: {  	[sflag:s8] =	ssyncset.s32 @!p0 $0xFFFFF086;
	s6 =	sadd.s32 @!p0 s3, s7;
	s7 =	simm.s32 @!p0 $0x108  }
0x21: {  	s3 =	sadd.s32 s3, s9;
	s6 =	sadd.s32 @!p0 $0x88, s6;
	s7 =	simm.s32 @p2 $0x1082  }
0x22: {  	[simem:s7], [sflag:s8] =	dma.local @!p0 [hbm:s6], $0xF7A  }
0x23: {  	s9 =	sor.u32 $0xD0000000, s2;
	s6 =	simm.s32 $0x108;
	_ =	swait.ge @!p0 [sflag:s8], $0x0  }
0x24: {  	s3 =	sadd.s32 $0x88, s3;
	s6 =	simm.s32 @!p1 $0x1082;
	[sflag:s4] =	ssyncset.s32 $0xFFFFF086  }
0x25: {  	[simem:s6], [sflag:s4] =	dma.local [hbm:s3], $0xF7A  }
0x26: {  	[smem:$0x3F93] =	sst s1;
	(tag) =	ssettag s2;
	_ =	strace s9  }
0x27: {  	s1 =	sld [smem:$0x3FA3]  }
0x28: {  	s2 =	sld [smem:$0x3FA4]  }
0x29: {  	s4 =	sld [smem:$0x3FA6]  }
0x2a: {  	p0 =	seq.s32 s5, $0x0;
	s5 =	sld [smem:$0x3FA7]  }
0x2b: {  	s6 =	sld [smem:$0x3FA8]  }
0x2c: {  	s7 =	sld [smem:$0x3FA9]  }
0x2d: {  	s3 =	simm.s32 $0x108;
	s8 =	sld [smem:$0x3FAA]  }
0x2e: {  	s3 =	simm.s32 @!p0 $0x1082;
	s9 =	sld [smem:$0x3FAB]  }
0x2f: {  	lr =	sadd.s32 s0, s3;
	s0 =	sld [smem:$0x3FA2]  }
0x30: {  	s3 =	sld [smem:$0x3FA5]  }
0x31: {  	[smem:$0x3FAE] =	sst s10  }
0x32: {  	s10 =	sld [smem:$0x3FAC];
	_ =	sdelay $0x3  }
0x33: {  	p0 =	seq.s32 s10, $0x1;
	s10 =	sld [smem:$0x3FAE];
	_ =	sdelay $0x3  }
0x34: {  	[smem:$0x3FAE] =	sst s10  }
0x35: {  	s10 =	sld [smem:$0x3FAD];
	_ =	sdelay $0x3  }
0x36: {  	p1 =	seq.s32 s10, $0x1;
	s10 =	sld [smem:$0x3FAE];
	_ =	sdelay $0x3  }
0x37: {  	[smem:$0x3FAE] =	sst s10  }
0x38: {  	s10 =	sld [smem:$0x3FAF]  }
0x39: {  	_ = 	snop;
	(pc) =	sbr.ind lr, $3  }
0x3a: {  	_ = 	snop  }
0x3b: {  	_ = 	snop  }
0x3c: {  	p2 =	seq.s32 s10, $0x1;
	s10 =	sld [smem:$0x3FAE]  }
0x3d: {  	_ =	shalt  }
0x3e: {  	_ =	shalt  }
0x3f: {  	_ =	shalt  }
0x40: {  	_ =	shalt  }
0x41: {  	_ =	shalt  }
0x42: {  	_ =	shalt  }
0x43: {  	_ =	shalt  }
0x44: {  	_ =	shalt  }
0x45: {  	_ =	shalt  }
0x46: {  	_ =	shalt  }
0x47: {  	_ =	shalt  }
0x48: {  	_ =	shalt  }
0x49: {  	_ =	shalt  }
0x4a: {  	_ =	shalt  }
0x4b: {  	_ =	shalt  }
0x4c: {  	_ =	shalt  }
0x4d: {  	_ =	shalt  }
0x4e: {  	_ =	shalt  }
0x4f: {  	_ =	shalt  }
0x50: {  	_ =	shalt  }
0x51: {  	_ =	shalt  }
0x52: {  	_ =	shalt  }
0x53: {  	_ =	shalt  }
0x54: {  	_ =	shalt  }
0x55: {  	_ =	shalt  }
0x56: {  	_ =	shalt  }
0x57: {  	_ =	shalt  }
0x58: {  	_ =	shalt  }
0x59: {  	_ =	shalt  }
0x5a: {  	_ =	shalt  }
0x5b: {  	_ =	shalt  }
0x5c: {  	_ =	shalt  }
0x5d: {  	_ =	shalt  }
0x5e: {  	_ =	shalt  }
0x5f: {  	_ =	shalt  }
0x60: {  	_ =	shalt  }
0x61: {  	_ =	shalt  }
0x62: {  	_ =	shalt  }
0x63: {  	_ =	shalt  }
0x64: {  	_ =	shalt  }
0x65: {  	_ =	shalt  }
0x66: {  	_ =	shalt  }
0x67: {  	_ =	shalt  }
0x68: {  	_ =	shalt  }
0x69: {  	_ =	shalt  }
0x6a: {  	_ =	shalt  }
0x6b: {  	_ =	shalt  }
0x6c: {  	_ =	shalt  }
0x6d: {  	_ =	shalt  }
0x6e: {  	_ =	shalt  }
0x6f: {  	_ =	shalt  }
0x70: {  	_ =	shalt  }
0x71: {  	_ =	shalt  }
0x72: {  	_ =	shalt  }
0x73: {  	_ =	shalt  }
0x74: {  	_ =	shalt  }
0x75: {  	_ =	shalt  }
0x76: {  	_ =	shalt  }
0x77: {  	_ =	shalt  }
0x78: {  	_ =	shalt  }
0x79: {  	_ =	shalt  }
0x7a: {  	_ =	shalt  }
0x7b: {  	_ =	shalt  }
0x7c: {  	_ =	shalt  }
0x7d: {  	_ =	shalt  }
0x7e: {  	_ =	shalt  }
0x7f: {  	_ =	shalt  }
0x80: {  	_ =	shalt  }
0x81: {  	_ =	shalt  }
0x82: {  	_ =	shalt  }
0x83: {  	_ =	shalt  }
0x84: {  	_ =	shalt  }
0x85: {  	_ =	shalt  }
0x86: {  	_ =	shalt  }
0x87: {  	_ =	shalt  }
.Lfunc_end0:
.L_simem_size_0:
called_computation_lowered:
.L_overlay_start_0:
0x88: {  	s2 =	sld [smem:$0x3FD9]  }
0x89: {  	s3 =	sld [smem:$0x3FFE];
	_ =	sdelay $0x1  }
0x8a: {  	s1 =	srdreg.scid  }
0x8b: {  	s0 =	sand.u32 $0x1, s1  }
0x8c: {  	s17 =	sshll.u32 s0, $0xA;
	s2 =	sadd.s32 s3, s2  }
0x8d: {  	s2 =	sadd.s32 s2, s17  }
0x8e: {  	[smem:$0x3FBA] =	sst s2  }
0x8f: {  	_ = 	snop  }
0x90: {  	s2 =	sld [smem:$0x3FD0];
	(tm) =	ssettm $0x1  }
0x91: {  	s18 =	sld [smem:$0x3FFB];
	_ =	sdelay $0x3  }
0x92: {  	_ =	strace s18  }
0x93: {  	s3 =	sld [smem:$0x3FFC];
	_ =	sdelay $0x3  }
0x94: {  	_ =	strace s3  }
0x95: {  	s3 =	sld [smem:$0x3FFD];
	_ =	sdelay $0x3  }
0x96: {  	_ =	strace s3  }
0x97: {  	_ =	strace $0x8FFFFFFF  }
0x98: {  	s19 =	sld [smem:$0x3FDB];
	_ =	sdelay $0x1  }
0x99: {  	s4 =	simm.s32 $_scs_section_size  }
0x9a: {  	s5 =	simm.s32 $_size__tile_overlayer_lowered;
	s6 =	simm.s32 $_tile_overlayer_lowered  }
0x9b: {  	s22 =	simm.s32 $0x1BFF;
	s21 =	sshll.u32 s6, $0x1;
	s3 =	sadd.s32 s4, s19  }
0x9c: {  	s7 =	simm.s32 $0x0;
	s20 =	sshll.u32 s5, $0x1;
	s5 =	sadd.s32 s21, s3  }
0x9d: {  	[timem:s7], [sflag:s22] =	dma.local [hbm:s5], s20  }
0x9e: {  	_ =	swait.ge [sflag:s22], s20  }
0x9f: {  	s4 =	ssub.s32 $0x0, s20;
	[sflag:s22] =	ssyncset.done $0x0  }
0xa0: {  	[sflag:s22] =	ssyncadd.s32 s4;
	_ =	sdelay $0x1  }
0xa1: {  	s23 =	simm.s32 $0x1B8B  }
0xa2: {  	_ =	swait.ge [sflag:s23], $0x1  }
0xa3: {  	[sflag:s23] =	ssyncset.done $0x0  }
0xa4: {  	s25 =	simm.s32 $0x1B8E;
	s24 =	sld [smem:$0x3FFE];
	[sflag:s23] =	ssyncadd.s32 $0xFFFFFFFF  }
0xa5: {  	s26 =	simm.s32 $execute0_lowered;
	[smem:$0x3FD2] =	sst s25  }
0xa6: {  	s5 =	sshll.u32 s26, $0x1;
	_ =	strace $0x80000046;
	[dreg:$0x1] =	wrdreg $0xFFFFFFFF  }
0xa7: {  	s28 =	simm.s32 $_size_execute0_lowered;
	s3 =	sadd.s32 s3, s5;
	[dreg:$0x0] =	wrdreg $0x0  }
0xa8: {  	s5 =	sshll.u32 s28, $0x1;
	[dreg:$0x2] =	wrdreg s3  }
0xa9: {  	[dreg:$0x3] =	wrdreg s5  }
0xaa: {  	[dreg:$0x4] =	wrdreg $0xC0  }
0xab: {  	_ =	task [dreg:s7], $0x5FFFF  }
0xac: {  	[dreg:$0x1] =	wrdreg $0xFFFFFFFF  }
0xad: {  	[dreg:$0x0] =	wrdreg $0x60  }
0xae: {  	[dreg:$0x2] =	wrdreg s2  }
0xaf: {  	[dreg:$0x3] =	wrdreg s24  }
0xb0: {  	[dreg:$0x4] =	wrdreg $0x9  }
0xb1: {  	_ =	task.clear_ibuf [dreg:s7], $0x5FFFF;
	_ =	strace $0x90000046  }
0xb2: {  	s29 =	simm.s32 $0x9;
	_ =	strace $0x80000048  }
0xb3: {  	_ =	swait.ge [sflag:s29], $0x1  }
0xb4: {  	[sflag:s29] =	ssyncadd.s32 $0xFFFFFFFF  }
0xb5: {  	_ =	strace $0x90000048  }
0xb6: {  	_ =	sfence  }
0xb7: {  	s30 =	sld [smem:$0x0];
	_ =	sdelay $0x2  }
0xb8: {  	s31 =	sshll.u32 s1, $0xD;
	s1 =	sshrl.u32 s1, $0x2  }
0xb9: {  	s3 =	sand.u32 $0x4000, s31;
	s1 =	sadd.s32 s1, s30  }
0xba: {  	s0 =	sor.u32 s3, s0;
	s1 =	sshll.u32 s1, $0x11  }
0xbb: {  	s0 =	sor.u32 s1, s0  }
0xbc: {  	s0 =	sadd.s32 $0x8F2B, s0  }
0xbd: {  	[sflag:s0] =	ssyncadd.remote.s32 $0x1  }
0xbe: {  	_ =	sfence.sel $0xFFFF  }
0xbf: {  	[dreg:$0x0] =	wrdreg $0xFFFFFFFF;
	(pc) =	sbr.abs _section_cstart, $3  }
0xc0: {  	[dreg:$0x1] =	wrdreg $0xFFFFFFFF  }
0xc1: {  	_ =	task.clear_ibuf [dreg:s7], $0x2FFFF;
	_ =	strace $0x9FFFFFFF  }
0xc2: {  	(tm) =	ssettm $0x7FFFFFFF  }
0xc3: {  	_ =	shalt  }
tec
execute0_lowered:
.L_overlay_start_1:
0x0: {  	(tag) =	ssettag $0x1  }
0x1: {  	s1 =	rddreg [dreg:$0x0]  }
0x2: {  	s5 =	rddreg [dreg:$0x1];
	s2 =	srdreg.scid  }
0x3: {  	s0 =	rddreg [dreg:$0x2];
	s3 =	simm.s32 $0x0;
	s11 =	simm.s32 $0x80  }
0x4: {  	s12 =	simm.s32 $0x50;
	s13 =	simm.s32 $0x100;
	s6 =	sand.u32 $0x1, s2  }
0x5: {  	s14 =	simm.s32 $0x2900;
	s2 =	stileid.u32;
	s7 =	smul.u32 $0x27100, s6  }
0x6: {  	s15 =	simm.s32 $0x0;
	[smem:$0x7FF] =	sst s3;
	s8 =	smul.u32 $0x2710, s2  }
0x7: {  	s4 =	sadd.s32 $0x16C00, s5;
	s9 =	smul.u32 $0x271000, s6;
	s6 =	ssub.s32 $0x2, s6  }
0x8: {  	_ =	strace $0x80000047;
	s10 =	smul.u32 $0x27100, s2;
	s30 =	sshrl.u32 s6, $0x1  }
0x9: {  	s7 =	sadd.s32 s8, s7;
	s29 =	sadd.s32 s9, s5;
	s6 =	ssub.s32 s6, s30  }
0xa: {  	s7 =	sshrl.u32 s7, $0x3;
	s8 =	sadd.s32 s10, s29;
	s10 =	simm.s32 $0x1  }
0xb: {  	s31 =	sadd.s32 s7, s5;
	s5 =	smax.u32 s6, $0x1;
	s6 =	sadd.s32 $0x51FE00, s8  }
0xc: {  	s7 =	sadd.s32 $0x3DE00, s8;
	s8 =	sadd.s32 $0xCE00, s31;
	s9 =	sadd.s32 $0x3000, s31  }
.LBB2_1:
0xd: {  	s16 =	sadd.s32 $0x0, s9  }
0xe: {  	[tilespmem:s3], [sflag:$0x1] =	stream.linear.gather [hbm4b:s16+s3], $0x50, $0x38;
	[tilespmem:$0x5100] =	vst v63  }
0xf: {  	_ =	swait.ge [sflag:s10], $0x50  }
0x10: {  	[sflag:s10] =	ssyncset.done $0x0  }
0x11: {  	s31 =	sadd.s32 $0x0, s8;
	[sflag:s10] =	ssyncadd.s32 $0xFFFFFFB0  }
0x12: {  	[tilespmem:s11], [sflag:$0x1] =	stream.linear.gather [hbm4b:s31+s3], $0x50, $0x38;
	[tilespmem:$0x5100] =	vst v63  }
0x13: {  	_ =	swait.ge [sflag:s10], $0x50  }
0x14: {  	[sflag:s10] =	ssyncset.done $0x0  }
0x15: {  	[sflag:s10] =	ssyncadd.s32 $0xFFFFFFB0  }
0x16: {  	[tilespmem:s13], [sflag:$0x1] =	stream.indirect.gather [hbm4b:s1+s12], $0x80, s3, s12, $0xb8;
	[tilespmem:$0x5100] =	vst v63  }
0x17: {  	_ =	swait.ge [sflag:s10], $0x2800  }
0x18: {  	[sflag:s10] =	ssyncset.done $0x0  }
0x19: {  	[sflag:s10] =	ssyncadd.s32 $0xFFFFD800  }
0x1a: {  	[tilespmem:s14], [sflag:$0x1] =	stream.indirect.gather [hbm4b:s4+s12], $0x80, s11, s12, $0xb8;
	[tilespmem:$0x5100] =	vst v63  }
0x1b: {  	_ =	swait.ge [sflag:s10], $0x2800  }
0x1c: {  	[sflag:s10] =	ssyncset.done $0x0  }
0x1d: {  	[sflag:s10] =	ssyncadd.s32 $0xFFFFD800  }
0x1e: {  	[hbm4b:s6+s3] =	stream.linear.scatter [tilespmem:s13], [sflag:$0x1], $0x2800, $0x38;
	[tilespmem:$0x5100] =	vst v63  }
0x1f: {  	_ =	swait.ge [sflag:s10], $0x2800  }
0x20: {  	[sflag:s10] =	ssyncset.done $0x0  }
0x21: {  	[sflag:s10] =	ssyncadd.s32 $0xFFFFD800  }
0x22: {  	[hbm4b:s7+s3] =	stream.linear.scatter [tilespmem:s14], [sflag:$0x1], $0x2800, $0x38;
	[tilespmem:$0x5100] =	vst v63  }
0x23: {  	s18 =	simm.s32 $0xA;
	s19 =	simm.s32 $0x14;
	_ =	swait.ge [sflag:s10], $0x2800  }
0x24: {  	s17 =	sadd.s32 $0x500, s6;
	s16 =	sadd.s32 $0x500, s7;
	[sflag:s10] =	ssyncset.done $0x0  }
.LBB2_2:
0x25: {  	s20 =	sadd.s32 s18, s9  }
0x26: {  	[sflag:s10] =	ssyncadd.s32 $0xFFFFD800;
	s21 =	smov.u32 s19;
	s22 =	sadd.s32 $0xA, s19  }
0x27: {  	[tilespmem:s3], [sflag:$0x1] =	stream.linear.gather [hbm4b:s20+s3], $0x50, $0x38;
	[tilespmem:$0x5100] =	vst v63  }
0x28: {  	p0 =	sne.s32 s19, $0x4D8;
	_ =	swait.ge [sflag:s10], $0x50  }
0x29: {  	[sflag:s10] =	ssyncset.done $0x0  }
0x2a: {  	s19 =	sadd.s32 s18, s8;
	s18 =	smov.u32 s21;
	[sflag:s10] =	ssyncadd.s32 $0xFFFFFFB0  }
0x2b: {  	[tilespmem:s11], [sflag:$0x1] =	stream.linear.gather [hbm4b:s19+s3], $0x50, $0x38;
	[tilespmem:$0x5100] =	vst v63  }
0x2c: {  	_ =	swait.ge [sflag:s10], $0x50  }
0x2d: {  	[sflag:s10] =	ssyncset.done $0x0  }
0x2e: {  	[sflag:s10] =	ssyncadd.s32 $0xFFFFFFB0  }
0x2f: {  	[tilespmem:s13], [sflag:$0x1] =	stream.indirect.gather [hbm4b:s1+s12], $0x80, s3, s12, $0xb8;
	[tilespmem:$0x5100] =	vst v63  }
0x30: {  	_ =	swait.ge [sflag:s10], $0x2800  }
0x31: {  	[sflag:s10] =	ssyncset.done $0x0  }
0x32: {  	[sflag:s10] =	ssyncadd.s32 $0xFFFFD800  }
0x33: {  	[tilespmem:s14], [sflag:$0x1] =	stream.indirect.gather [hbm4b:s4+s12], $0x80, s11, s12, $0xb8;
	[tilespmem:$0x5100] =	vst v63  }
0x34: {  	_ =	swait.ge [sflag:s10], $0x2800  }
0x35: {  	[sflag:s10] =	ssyncset.done $0x0  }
0x36: {  	[sflag:s10] =	ssyncadd.s32 $0xFFFFD800  }
0x37: {  	[hbm4b:s17+s3] =	stream.linear.scatter [tilespmem:s13], [sflag:$0x1], $0x2800, $0x38;
	[tilespmem:$0x5100] =	vst v63  }
0x38: {  	_ =	swait.ge [sflag:s10], $0x2800  }
.Ltmp0:
0x39: {  	[sflag:s10] =	ssyncset.done $0x0;
	(pc) =	sbr.rel @p0 .LBB2_2-.Ltmp0, $4  }
0x3a: {  	[sflag:s10] =	ssyncadd.s32 $0xFFFFD800  }
0x3b: {  	[hbm4b:s16+s3] =	stream.linear.scatter [tilespmem:s14], [sflag:$0x1], $0x2800, $0x38;
	[tilespmem:$0x5100] =	vst v63  }
0x3c: {  	s19 =	smov.u32 s22;
	_ =	swait.ge [sflag:s10], $0x2800  }
0x3d: {  	s17 =	sadd.s32 $0x500, s17;
	s16 =	sadd.s32 $0x500, s16;
	[sflag:s10] =	ssyncset.done $0x0  }
0x3e: {  	s19 =	sadd.s32 s18, s9;
	[sflag:s10] =	ssyncadd.s32 $0xFFFFD800  }
0x3f: {  	[tilespmem:s3], [sflag:$0x1] =	stream.linear.gather [hbm4b:s19+s3], $0x50, $0x38;
	[tilespmem:$0x5100] =	vst v63  }
0x40: {  	_ =	swait.ge [sflag:s10], $0x50  }
0x41: {  	[sflag:s10] =	ssyncset.done $0x0  }
0x42: {  	s31 =	sadd.s32 s18, s8;
	[sflag:s10] =	ssyncadd.s32 $0xFFFFFFB0  }
0x43: {  	[tilespmem:s11], [sflag:$0x1] =	stream.linear.gather [hbm4b:s31+s3], $0x50, $0x38;
	[tilespmem:$0x5100] =	vst v63  }
0x44: {  	_ =	swait.ge [sflag:s10], $0x50  }
0x45: {  	[sflag:s10] =	ssyncset.done $0x0  }
0x46: {  	[sflag:s10] =	ssyncadd.s32 $0xFFFFFFB0  }
0x47: {  	[tilespmem:s13], [sflag:$0x1] =	stream.indirect.gather [hbm4b:s1+s12], $0x80, s3, s12, $0xb8;
	[tilespmem:$0x5100] =	vst v63  }
0x48: {  	_ =	swait.ge [sflag:s10], $0x2800  }
0x49: {  	[sflag:s10] =	ssyncset.done $0x0  }
0x4a: {  	[sflag:s10] =	ssyncadd.s32 $0xFFFFD800  }
0x4b: {  	[tilespmem:s14], [sflag:$0x1] =	stream.indirect.gather [hbm4b:s4+s12], $0x80, s11, s12, $0xb8;
	[tilespmem:$0x5100] =	vst v63  }
0x4c: {  	_ =	swait.ge [sflag:s10], $0x2800  }
0x4d: {  	[sflag:s10] =	ssyncset.done $0x0  }
0x4e: {  	[sflag:s10] =	ssyncadd.s32 $0xFFFFD800  }
0x4f: {  	[hbm4b:s17+s3] =	stream.linear.scatter [tilespmem:s13], [sflag:$0x1], $0x2800, $0x38;
	[tilespmem:$0x5100] =	vst v63  }
0x50: {  	s15 =	sadd.s32 $0x1, s15;
	_ =	swait.ge [sflag:s10], $0x2800  }
0x51: {  	p0 =	sne.s32 s15, s5;
	[sflag:s10] =	ssyncset.done $0x0  }
.Ltmp1:
0x52: {  	[sflag:s10] =	ssyncadd.s32 $0xFFFFD800;
	(pc) =	sbr.rel @p0 .LBB2_1-.Ltmp1, $4  }
0x53: {  	[hbm4b:s16+s3] =	stream.linear.scatter [tilespmem:s14], [sflag:$0x1], $0x2800, $0x38;
	[tilespmem:$0x5100] =	vst v63  }
0x54: {  	_ =	swait.ge [sflag:s10], $0x2800  }
0x55: {  	[sflag:s10] =	ssyncset.done $0x0  }
0x56: {  	[sflag:s10] =	ssyncadd.s32 $0xFFFFD800  }
0x57: {  	_ =	sfence.sel $0x180000  }
0x58: {  	[bflag:$0x0] =	sbarrier.arrive $0xFFFF  }
0x59: {  	p0 =	sne.s32 s2, $0x0;
	_ =	strace $0x90000047  }
0x5a: {  	s0 =	sadd.s32 @!p0 $0x100000, s0;
	[bflag:$0x2] =	sbarrier.arrive $0xFFFF  }
0x5b: {  	[sflag:s0] =	ssyncadd.tile.s32 @!p0 $0x1;
	_ =	shalt  }
.Lfunc_end2:
_tile_overlayer_lowered:
.L_overlay_start_2:
0x5c: {  	(tag) =	ssettag $0x2  }
0x5d: {  	s0 =	rddreg [dreg:$0x0];
	s2 =	stileid.u32  }
0x5e: {  	s1 =	rddreg [dreg:$0x1];
	p0 =	sne.s32 s2, $0x0  }
0x5f: {  	s3 =	rddreg [dreg:$0x2];
	[bflag:$0x3] =	sbarrier.arrive $0xFFFF;
	s2 =	simm.s32 @!p0 $0x1C01  }
0x60: {  	[timem:s3], [sflag:s2] =	dma.local @!p0 [hbm:s0], s1  }
0x61: {  	s0 =	simm.s32 @!p0 $0x1  }
0x62: {  	_ =	swait.ge @!p0 [sflag:s0], s1  }
0x63: {  	s1 =	ssub.s32 @!p0 $0x0, s1;
	[sflag:s0] =	ssyncset.done @!p0 $0x0  }
0x64: {  	[sflag:s0] =	ssyncadd.s32 @!p0 s1  }
0x65: {  	[bflag:$0x3] =	sbarrier.arrive $0xFFFF  }
0x66: {  	_ =	shalt  }

// kernel: kernel.15.cloned.1.call-start
scs
__scs_entry_jumppad:
0x0: {  	(pc) =	sbr.rel $0x88, $3  }
0x1: {  	(tag) =	ssettag $0x0;
	lr =	simm.s32 $0x1  }
0x2: {  	[smem:$0x3F93] =	sst lr;
	_ =	strace $0xD0000000  }
0x3: {  	_ = 	snop  }
0x4: {  	_ = 	snop  }
0x5: {  	_ = 	snop  }
0x6: {  	_ = 	snop  }
0x7: {  	_ = 	snop  }
__scs_overlays_trampoline_lowered:
0x8: {  	[smem:$0x3FA2] =	sst s0  }
0x9: {  	[smem:$0x3FA3] =	sst s1  }
0xa: {  	[smem:$0x3FA4] =	sst s2  }
0xb: {  	[smem:$0x3FA5] =	sst s3  }
0xc: {  	[smem:$0x3FA6] =	sst s4  }
0xd: {  	[smem:$0x3FA7] =	sst s5  }
0xe: {  	[smem:$0x3FA8] =	sst s6  }
0xf: {  	[smem:$0x3FA9] =	sst s7  }
0x10: {  	[smem:$0x3FAA] =	sst s8  }
0x11: {  	[smem:$0x3FAB] =	sst s9;
	s0 =	simm.s32 @!p0 $0x0  }
0x12: {  	s1 =	sld [smem:$0x3F91];
	s0 =	simm.s32 @p0 $0x1  }
0x13: {  	[smem:$0x3FAC] =	sst s0;
	s0 =	simm.s32 @!p1 $0x0  }
0x14: {  	s2 =	sld [smem:$0x3F90];
	s0 =	simm.s32 @p1 $0x1  }
0x15: {  	[smem:$0x3FAD] =	sst s0;
	s0 =	simm.s32 @!p2 $0x0  }
0x16: {  	s3 =	sld [smem:$0x3FDB];
	s0 =	simm.s32 @p2 $0x1  }
0x17: {  	s4 =	simm.s32 $0x1BF5;
	[smem:$0x3FAF] =	sst s0  }
0x18: {  	s0 =	sld [smem:$0x3F92];
	_ =	swait.ge [sflag:s4], $0x0  }
0x19: {  	s7 =	sld [smem:$0x3F93]  }
0x1a: {  	s8 =	sadd.s32 $0xFFFFE003, lr  }
0x1b: {  	s9 =	sadd.s32 $0xFFFFFEF7, lr;
	s5 =	simm.s32 $0xFFFFFFFF;
	p2 =	slt.u32 s8, $0xFFFFF086  }
0x1c: {  	p1 =	slt.u32 s9, $0xF7A;
	s5 =	simm.s32 @!p2 $0x0  }
0x1d: {  	s5 =	simm.s32 @p1 $0x1;
	p0 =	seq.s32 s7, s2  }
0x1e: {  	s7 =	smul.u32 @!p0 $0xF7A, s2;
	p2 =	seq.s32 @!p0 s5, $0x0  }
0x1f: {  	s9 =	smul.u32 $0xF7A, s1;
	s8 =	simm.s32 @!p0 $0x1BF5;
	p2 =	por !p2, p0  }
0x20: {  	[sflag:s8] =	ssyncset.s32 @!p0 $0xFFFFF086;
	s6 =	sadd.s32 @!p0 s3, s7;
	s7 =	simm.s32 @!p0 $0x108  }
0x21: {  	s3 =	sadd.s32 s3, s9;
	s6 =	sadd.s32 @!p0 $0x88, s6;
	s7 =	simm.s32 @p2 $0x1082  }
0x22: {  	[simem:s7], [sflag:s8] =	dma.local @!p0 [hbm:s6], $0xF7A  }
0x23: {  	s9 =	sor.u32 $0xD0000000, s2;
	s6 =	simm.s32 $0x108;
	_ =	swait.ge @!p0 [sflag:s8], $0x0  }
0x24: {  	s3 =	sadd.s32 $0x88, s3;
	s6 =	simm.s32 @!p1 $0x1082;
	[sflag:s4] =	ssyncset.s32 $0xFFFFF086  }
0x25: {  	[simem:s6], [sflag:s4] =	dma.local [hbm:s3], $0xF7A  }
0x26: {  	[smem:$0x3F93] =	sst s1;
	(tag) =	ssettag s2;
	_ =	strace s9  }
0x27: {  	s1 =	sld [smem:$0x3FA3]  }
0x28: {  	s2 =	sld [smem:$0x3FA4]  }
0x29: {  	s4 =	sld [smem:$0x3FA6]  }
0x2a: {  	p0 =	seq.s32 s5, $0x0;
	s5 =	sld [smem:$0x3FA7]  }
0x2b: {  	s6 =	sld [smem:$0x3FA8]  }
0x2c: {  	s7 =	sld [smem:$0x3FA9]  }
0x2d: {  	s3 =	simm.s32 $0x108;
	s8 =	sld [smem:$0x3FAA]  }
0x2e: {  	s3 =	simm.s32 @!p0 $0x1082;
	s9 =	sld [smem:$0x3FAB]  }
0x2f: {  	lr =	sadd.s32 s0, s3;
	s0 =	sld [smem:$0x3FA2]  }
0x30: {  	s3 =	sld [smem:$0x3FA5]  }
0x31: {  	[smem:$0x3FAE] =	sst s10  }
0x32: {  	s10 =	sld [smem:$0x3FAC];
	_ =	sdelay $0x3  }
0x33: {  	p0 =	seq.s32 s10, $0x1;
	s10 =	sld [smem:$0x3FAE];
	_ =	sdelay $0x3  }
0x34: {  	[smem:$0x3FAE] =	sst s10  }
0x35: {  	s10 =	sld [smem:$0x3FAD];
	_ =	sdelay $0x3  }
0x36: {  	p1 =	seq.s32 s10, $0x1;
	s10 =	sld [smem:$0x3FAE];
	_ =	sdelay $0x3  }
0x37: {  	[smem:$0x3FAE] =	sst s10  }
0x38: {  	s10 =	sld [smem:$0x3FAF]  }
0x39: {  	_ = 	snop;
	(pc) =	sbr.ind lr, $3  }
0x3a: {  	_ = 	snop  }
0x3b: {  	_ = 	snop  }
0x3c: {  	p2 =	seq.s32 s10, $0x1;
	s10 =	sld [smem:$0x3FAE]  }
0x3d: {  	_ =	shalt  }
0x3e: {  	_ =	shalt  }
0x3f: {  	_ =	shalt  }
0x40: {  	_ =	shalt  }
0x41: {  	_ =	shalt  }
0x42: {  	_ =	shalt  }
0x43: {  	_ =	shalt  }
0x44: {  	_ =	shalt  }
0x45: {  	_ =	shalt  }
0x46: {  	_ =	shalt  }
0x47: {  	_ =	shalt  }
0x48: {  	_ =	shalt  }
0x49: {  	_ =	shalt  }
0x4a: {  	_ =	shalt  }
0x4b: {  	_ =	shalt  }
0x4c: {  	_ =	shalt  }
0x4d: {  	_ =	shalt  }
0x4e: {  	_ =	shalt  }
0x4f: {  	_ =	shalt  }
0x50: {  	_ =	shalt  }
0x51: {  	_ =	shalt  }
0x52: {  	_ =	shalt  }
0x53: {  	_ =	shalt  }
0x54: {  	_ =	shalt  }
0x55: {  	_ =	shalt  }
0x56: {  	_ =	shalt  }
0x57: {  	_ =	shalt  }
0x58: {  	_ =	shalt  }
0x59: {  	_ =	shalt  }
0x5a: {  	_ =	shalt  }
0x5b: {  	_ =	shalt  }
0x5c: {  	_ =	shalt  }
0x5d: {  	_ =	shalt  }
0x5e: {  	_ =	shalt  }
0x5f: {  	_ =	shalt  }
0x60: {  	_ =	shalt  }
0x61: {  	_ =	shalt  }
0x62: {  	_ =	shalt  }
0x63: {  	_ =	shalt  }
0x64: {  	_ =	shalt  }
0x65: {  	_ =	shalt  }
0x66: {  	_ =	shalt  }
0x67: {  	_ =	shalt  }
0x68: {  	_ =	shalt  }
0x69: {  	_ =	shalt  }
0x6a: {  	_ =	shalt  }
0x6b: {  	_ =	shalt  }
0x6c: {  	_ =	shalt  }
0x6d: {  	_ =	shalt  }
0x6e: {  	_ =	shalt  }
0x6f: {  	_ =	shalt  }
0x70: {  	_ =	shalt  }
0x71: {  	_ =	shalt  }
0x72: {  	_ =	shalt  }
0x73: {  	_ =	shalt  }
0x74: {  	_ =	shalt  }
0x75: {  	_ =	shalt  }
0x76: {  	_ =	shalt  }
0x77: {  	_ =	shalt  }
0x78: {  	_ =	shalt  }
0x79: {  	_ =	shalt  }
0x7a: {  	_ =	shalt  }
0x7b: {  	_ =	shalt  }
0x7c: {  	_ =	shalt  }
0x7d: {  	_ =	shalt  }
0x7e: {  	_ =	shalt  }
0x7f: {  	_ =	shalt  }
0x80: {  	_ =	shalt  }
0x81: {  	_ =	shalt  }
0x82: {  	_ =	shalt  }
0x83: {  	_ =	shalt  }
0x84: {  	_ =	shalt  }
0x85: {  	_ =	shalt  }
0x86: {  	_ =	shalt  }
0x87: {  	_ =	shalt  }
.Lfunc_end0:
.L_simem_size_0:
called_computation.1_lowered:
.L_overlay_start_0:
0x88: {  	s2 =	sld [smem:$0x3FD9]  }
0x89: {  	s3 =	sld [smem:$0x3FFE];
	_ =	sdelay $0x1  }
0x8a: {  	s1 =	srdreg.scid  }
0x8b: {  	s0 =	sand.u32 $0x1, s1  }
0x8c: {  	s17 =	sshll.u32 s0, $0xA;
	s2 =	sadd.s32 s3, s2  }
0x8d: {  	s2 =	sadd.s32 s2, s17  }
0x8e: {  	[smem:$0x3FBA] =	sst s2  }
0x8f: {  	_ = 	snop  }
0x90: {  	s2 =	sld [smem:$0x3FD0];
	(tm) =	ssettm $0x1  }
0x91: {  	s18 =	sld [smem:$0x3FFB];
	_ =	sdelay $0x3  }
0x92: {  	_ =	strace s18  }
0x93: {  	s3 =	sld [smem:$0x3FFC];
	_ =	sdelay $0x3  }
0x94: {  	_ =	strace s3  }
0x95: {  	s3 =	sld [smem:$0x3FFD];
	_ =	sdelay $0x3  }
0x96: {  	_ =	strace s3  }
0x97: {  	_ =	strace $0x8FFFFFFF  }
0x98: {  	s19 =	sld [smem:$0x3FDB];
	_ =	sdelay $0x1  }
0x99: {  	s4 =	simm.s32 $_scs_section_size  }
0x9a: {  	s5 =	simm.s32 $_size__tile_overlayer_lowered;
	s6 =	simm.s32 $_tile_overlayer_lowered  }
0x9b: {  	s22 =	simm.s32 $0x1BFF;
	s21 =	sshll.u32 s6, $0x1;
	s3 =	sadd.s32 s4, s19  }
0x9c: {  	s7 =	simm.s32 $0x0;
	s20 =	sshll.u32 s5, $0x1;
	s5 =	sadd.s32 s21, s3  }
0x9d: {  	[timem:s7], [sflag:s22] =	dma.local [hbm:s5], s20  }
0x9e: {  	_ =	swait.ge [sflag:s22], s20  }
0x9f: {  	s4 =	ssub.s32 $0x0, s20;
	[sflag:s22] =	ssyncset.done $0x0  }
0xa0: {  	[sflag:s22] =	ssyncadd.s32 s4;
	_ =	sdelay $0x1  }
0xa1: {  	s23 =	simm.s32 $0x1B8B  }
0xa2: {  	_ =	swait.ge [sflag:s23], $0x1  }
0xa3: {  	[sflag:s23] =	ssyncset.done $0x0  }
0xa4: {  	s25 =	simm.s32 $0x1B8E;
	s24 =	sld [smem:$0x3FFE];
	[sflag:s23] =	ssyncadd.s32 $0xFFFFFFFF  }
0xa5: {  	s26 =	simm.s32 $execute0_lowered;
	[smem:$0x3FD2] =	sst s25  }
0xa6: {  	s5 =	sshll.u32 s26, $0x1;
	_ =	strace $0x80000049;
	[dreg:$0x1] =	wrdreg $0xFFFFFFFF  }
0xa7: {  	s28 =	simm.s32 $_size_execute0_lowered;
	s3 =	sadd.s32 s3, s5;
	[dreg:$0x0] =	wrdreg $0x0  }
0xa8: {  	s5 =	sshll.u32 s28, $0x1;
	[dreg:$0x2] =	wrdreg s3  }
0xa9: {  	[dreg:$0x3] =	wrdreg s5  }
0xaa: {  	[dreg:$0x4] =	wrdreg $0xC0  }
0xab: {  	_ =	task [dreg:s7], $0x5FFFF  }
0xac: {  	[dreg:$0x1] =	wrdreg $0xFFFFFFFF  }
0xad: {  	[dreg:$0x0] =	wrdreg $0x60  }
0xae: {  	[dreg:$0x2] =	wrdreg s24  }
0xaf: {  	[dreg:$0x3] =	wrdreg s2  }
0xb0: {  	[dreg:$0x4] =	wrdreg $0x2D00  }
0xb1: {  	[dreg:$0x5] =	wrdreg $0x9  }
0xb2: {  	_ =	task.clear_ibuf [dreg:s7], $0x6FFFF;
	_ =	strace $0x90000049  }
0xb3: {  	s29 =	simm.s32 $0x9;
	_ =	strace $0x8000004B  }
0xb4: {  	_ =	swait.ge [sflag:s29], $0x1  }
0xb5: {  	[sflag:s29] =	ssyncadd.s32 $0xFFFFFFFF  }
0xb6: {  	_ =	strace $0x9000004B  }
0xb7: {  	_ =	sfence  }
0xb8: {  	s30 =	sld [smem:$0x0];
	_ =	sdelay $0x2  }
0xb9: {  	s31 =	sshll.u32 s1, $0xD;
	s1 =	sshrl.u32 s1, $0x2  }
0xba: {  	s3 =	sand.u32 $0x4000, s31;
	s1 =	sadd.s32 s1, s30  }
0xbb: {  	s0 =	sor.u32 s3, s0;
	s1 =	sshll.u32 s1, $0x11  }
0xbc: {  	s0 =	sor.u32 s1, s0  }
0xbd: {  	s0 =	sadd.s32 $0x8F2B, s0  }
0xbe: {  	[sflag:s0] =	ssyncadd.remote.s32 $0x1  }
0xbf: {  	_ =	sfence.sel $0xFFFF  }
0xc0: {  	[dreg:$0x0] =	wrdreg $0xFFFFFFFF;
	(pc) =	sbr.abs _section_cstart, $3  }
0xc1: {  	[dreg:$0x1] =	wrdreg $0xFFFFFFFF  }
0xc2: {  	_ =	task.clear_ibuf [dreg:s7], $0x2FFFF;
	_ =	strace $0x9FFFFFFF  }
0xc3: {  	(tm) =	ssettm $0x7FFFFFFF  }
tec
execute0_lowered:
.L_overlay_start_1:
0x0: {  	(tag) =	ssettag $0x1  }
0x1: {  	s3 =	rddreg [dreg:$0x0]  }
0x2: {  	s0 =	srdreg.scid;
	s4 =	rddreg [dreg:$0x1]  }
0x3: {  	s6 =	stileid.u32;
	s1 =	rddreg [dreg:$0x2];
	s2 =	simm.s32 $0x0  }
0x4: {  	s5 =	sand.u32 $0x1, s0;
	s8 =	smul.u32 $0x2710, s6;
	s0 =	rddreg [dreg:$0x3]  }
0x5: {  	s11 =	simm.s32 $0x0;
	[smem:$0x7FF] =	sst s2;
	s7 =	smul.u32 $0x27100, s5  }
0x6: {  	p0 =	sne.s32 s6, $0x0;
	s9 =	ssub.s32 $0x2, s5;
	s5 =	smul.u32 $0x2710, s5  }
0x7: {  	_ =	strace $0x8000004A;
	s10 =	sshrl.u32 s9, $0x1;
	s7 =	sadd.s32 s8, s7  }
0x8: {  	s9 =	ssub.s32 s9, s10;
	s4 =	sadd.s32 s4, s5;
	s10 =	simm.s32 $0x50  }
0x9: {  	s8 =	sadd.s32 s7, s3;
	s7 =	sshrl.u32 s7, $0x3;
	s5 =	smax.u32 s9, $0x1  }
0xa: {  	s9 =	simm.s32 $0x1;
	s7 =	sadd.s32 s7, s3;
	s3 =	sadd.s32 $0x3000, s3  }
0xb: {  	s6 =	sadd.s32 $0xA01E00, s8;
	s8 =	sshrl.u32 @!p0 s1, $0x3;
	s7 =	sadd.s32 $0xCE00, s7  }
.LBB2_1:
0xc: {  	s12 =	simm.s32 @!p0 $0x1C01  }
0xd: {  	[spmem:s8], [sflag:s12] =	dma.local @!p0 [hbm:s3], $0x2710  }
0xe: {  	s12 =	simm.s32 @!p0 $0x1  }
0xf: {  	_ =	swait.ge @!p0 [sflag:s12], $0x2710  }
0x10: {  	[sflag:s12] =	ssyncset.done @!p0 $0x0  }
0x11: {  	[sflag:s12] =	ssyncadd.s32 @!p0 $0xFFFFD8F0  }
0x12: {  	s31 =	sadd.s32 $0x0, s7;
	[bflag:$0x0] =	sbarrier.arrive $0xFFFF  }
0x13: {  	[tilespmem:s2], [sflag:$0x1] =	stream.linear.gather [hbm4b:s31+s2], $0x50, $0x38;
	[tilespmem:$0x1658] =	vst v63  }
0x14: {  	_ =	swait.ge [sflag:s9], $0x50  }
0x15: {  	[sflag:s9] =	ssyncset.done $0x0  }
0x16: {  	[sflag:s9] =	ssyncadd.s32 $0xFFFFFFB0  }
0x17: {  	[tilespmem:s10], [sflag:$0x1] =	stream.linear.gather [hbm4b:s6+s2], $0x280, $0x38;
	[tilespmem:$0x1658] =	vst v63  }
0x18: {  	_ =	swait.ge [sflag:s9], $0x280  }
0x19: {  	[sflag:s9] =	ssyncset.done $0x0  }
0x1a: {  	[sflag:s9] =	ssyncadd.s32 $0xFFFFFD80  }
0x1b: {  	[spmem:s1] =	stream.indirect.scatter.add.f32 [tilespmem:s10], [sflag:$0x1], $0x8, s2, s10, $0xb8;
	[tilespmem:$0x1658] =	vst v63  }
0x1c: {  	s13 =	simm.s32 $0xA;
	_ =	swait.ge [sflag:s9], $0x280  }
0x1d: {  	s14 =	simm.s32 $0x14;
	s12 =	sadd.s32 $0x50, s6;
	[sflag:s9] =	ssyncset.done $0x0  }
.LBB2_2:
0x1e: {  	s15 =	sadd.s32 s13, s7  }
0x1f: {  	[sflag:s9] =	ssyncadd.s32 $0xFFFFFD80;
	s13 =	smov.u32 s14;
	s16 =	sadd.s32 $0xA, s14  }
0x20: {  	[tilespmem:s2], [sflag:$0x1] =	stream.linear.gather [hbm4b:s15+s2], $0x50, $0x38;
	[tilespmem:$0x1658] =	vst v63  }
0x21: {  	p1 =	sne.s32 s14, $0x4D8;
	_ =	swait.ge [sflag:s9], $0x50  }
0x22: {  	[sflag:s9] =	ssyncset.done $0x0  }
0x23: {  	[sflag:s9] =	ssyncadd.s32 $0xFFFFFFB0  }
0x24: {  	[tilespmem:s10], [sflag:$0x1] =	stream.linear.gather [hbm4b:s12+s2], $0x280, $0x38;
	[tilespmem:$0x1658] =	vst v63  }
0x25: {  	_ =	swait.ge [sflag:s9], $0x280  }
.Ltmp0:
0x26: {  	[sflag:s9] =	ssyncset.done $0x0;
	(pc) =	sbr.rel @p1 .LBB2_2-.Ltmp0, $4  }
0x27: {  	[sflag:s9] =	ssyncadd.s32 $0xFFFFFD80  }
0x28: {  	[spmem:s1] =	stream.indirect.scatter.add.f32 [tilespmem:s10], [sflag:$0x1], $0x8, s2, s10, $0xb8;
	[tilespmem:$0x1658] =	vst v63  }
0x29: {  	_ =	swait.ge [sflag:s9], $0x280  }
0x2a: {  	s14 =	smov.u32 s16;
	s12 =	sadd.s32 $0x50, s12;
	[sflag:s9] =	ssyncset.done $0x0  }
0x2b: {  	s13 =	sadd.s32 s13, s7;
	[sflag:s9] =	ssyncadd.s32 $0xFFFFFD80  }
0x2c: {  	[tilespmem:s2], [sflag:$0x1] =	stream.linear.gather [hbm4b:s13+s2], $0x50, $0x38;
	[tilespmem:$0x1658] =	vst v63  }
0x2d: {  	_ =	swait.ge [sflag:s9], $0x50  }
0x2e: {  	[sflag:s9] =	ssyncset.done $0x0  }
0x2f: {  	[sflag:s9] =	ssyncadd.s32 $0xFFFFFFB0  }
0x30: {  	[tilespmem:s10], [sflag:$0x1] =	stream.linear.gather [hbm4b:s12+s2], $0x280, $0x38;
	[tilespmem:$0x1658] =	vst v63  }
0x31: {  	_ =	swait.ge [sflag:s9], $0x280  }
0x32: {  	[sflag:s9] =	ssyncset.done $0x0  }
0x33: {  	[sflag:s9] =	ssyncadd.s32 $0xFFFFFD80  }
0x34: {  	[spmem:s1] =	stream.indirect.scatter.add.f32 [tilespmem:s10], [sflag:$0x1], $0x8, s2, s10, $0xb8;
	[tilespmem:$0x1658] =	vst v63  }
0x35: {  	_ =	swait.ge [sflag:s9], $0x280  }
0x36: {  	[sflag:s9] =	ssyncset.done $0x0  }
0x37: {  	s11 =	sadd.s32 $0x1, s11;
	[sflag:s9] =	ssyncadd.s32 $0xFFFFFD80  }
0x38: {  	p1 =	sne.s32 s11, s5;
	s12 =	simm.s32 @!p0 $0x1C01;
	[bflag:$0x0] =	sbarrier.arrive $0xFFFF  }
0x39: {  	[hbm:s4], [sflag:s12] =	dma.local @!p0 [spmem:s8], $0x2710  }
.Ltmp1:
0x3a: {  	_ = 	snop;
	(pc) =	sbr.rel @p1 .LBB2_1-.Ltmp1, $4  }
0x3b: {  	s12 =	simm.s32 @!p0 $0x1  }
0x3c: {  	_ =	swait.ge @!p0 [sflag:s12], $0x2710  }
0x3d: {  	[sflag:s12] =	ssyncset.done @!p0 $0x0  }
0x3e: {  	[sflag:s12] =	ssyncadd.s32 @!p0 $0xFFFFD8F0  }
0x3f: {  	_ =	sfence.sel $0x180000  }
0x40: {  	[bflag:$0x0] =	sbarrier.arrive $0xFFFF  }
0x41: {  	_ =	strace $0x9000004A  }
0x42: {  	s0 =	sadd.s32 @!p0 $0x100000, s0;
	[bflag:$0x2] =	sbarrier.arrive $0xFFFF  }
0x43: {  	[sflag:s0] =	ssyncadd.tile.s32 @!p0 $0x1;
	_ =	shalt  }
.Lfunc_end2:
_tile_overlayer_lowered:
.L_overlay_start_2:
0x44: {  	(tag) =	ssettag $0x2  }
0x45: {  	s0 =	rddreg [dreg:$0x0];
	s2 =	stileid.u32  }
0x46: {  	s1 =	rddreg [dreg:$0x1];
	p0 =	sne.s32 s2, $0x0  }
0x47: {  	s3 =	rddreg [dreg:$0x2];
	[bflag:$0x3] =	sbarrier.arrive $0xFFFF;
	s2 =	simm.s32 @!p0 $0x1C01  }
0x48: {  	[timem:s3], [sflag:s2] =	dma.local @!p0 [hbm:s0], s1  }
0x49: {  	s0 =	simm.s32 @!p0 $0x1  }
0x4a: {  	_ =	swait.ge @!p0 [sflag:s0], s1  }
0x4b: {  	s1 =	ssub.s32 @!p0 $0x0, s1;
	[sflag:s0] =	ssyncset.done @!p0 $0x0  }
0x4c: {  	[sflag:s0] =	ssyncadd.s32 @!p0 s1  }
0x4d: {  	[bflag:$0x3] =	sbarrier.arrive $0xFFFF  }
0x4e: {  	_ =	shalt  }

// kernel: kernel.18.cloned.1.call-start
scs
__scs_entry_jumppad:
0x0: {  	(pc) =	sbr.rel $0x88, $3  }
0x1: {  	(tag) =	ssettag $0x0;
	lr =	simm.s32 $0x1  }
0x2: {  	[smem:$0x3F93] =	sst lr;
	_ =	strace $0xD0000000  }
0x3: {  	_ = 	snop  }
0x4: {  	_ = 	snop  }
0x5: {  	_ = 	snop  }
0x6: {  	_ = 	snop  }
0x7: {  	_ = 	snop  }
__scs_overlays_trampoline_lowered:
0x8: {  	[smem:$0x3FA2] =	sst s0  }
0x9: {  	[smem:$0x3FA3] =	sst s1  }
0xa: {  	[smem:$0x3FA4] =	sst s2  }
0xb: {  	[smem:$0x3FA5] =	sst s3  }
0xc: {  	[smem:$0x3FA6] =	sst s4  }
0xd: {  	[smem:$0x3FA7] =	sst s5  }
0xe: {  	[smem:$0x3FA8] =	sst s6  }
0xf: {  	[smem:$0x3FA9] =	sst s7  }
0x10: {  	[smem:$0x3FAA] =	sst s8  }
0x11: {  	[smem:$0x3FAB] =	sst s9;
	s0 =	simm.s32 @!p0 $0x0  }
0x12: {  	s1 =	sld [smem:$0x3F91];
	s0 =	simm.s32 @p0 $0x1  }
0x13: {  	[smem:$0x3FAC] =	sst s0;
	s0 =	simm.s32 @!p1 $0x0  }
0x14: {  	s2 =	sld [smem:$0x3F90];
	s0 =	simm.s32 @p1 $0x1  }
0x15: {  	[smem:$0x3FAD] =	sst s0;
	s0 =	simm.s32 @!p2 $0x0  }
0x16: {  	s3 =	sld [smem:$0x3FDB];
	s0 =	simm.s32 @p2 $0x1  }
0x17: {  	s4 =	simm.s32 $0x1BF5;
	[smem:$0x3FAF] =	sst s0  }
0x18: {  	s0 =	sld [smem:$0x3F92];
	_ =	swait.ge [sflag:s4], $0x0  }
0x19: {  	s7 =	sld [smem:$0x3F93]  }
0x1a: {  	s8 =	sadd.s32 $0xFFFFE003, lr  }
0x1b: {  	s9 =	sadd.s32 $0xFFFFFEF7, lr;
	s5 =	simm.s32 $0xFFFFFFFF;
	p2 =	slt.u32 s8, $0xFFFFF086  }
0x1c: {  	p1 =	slt.u32 s9, $0xF7A;
	s5 =	simm.s32 @!p2 $0x0  }
0x1d: {  	s5 =	simm.s32 @p1 $0x1;
	p0 =	seq.s32 s7, s2  }
0x1e: {  	s7 =	smul.u32 @!p0 $0xF7A, s2;
	p2 =	seq.s32 @!p0 s5, $0x0  }
0x1f: {  	s9 =	smul.u32 $0xF7A, s1;
	s8 =	simm.s32 @!p0 $0x1BF5;
	p2 =	por !p2, p0  }
0x20: {  	[sflag:s8] =	ssyncset.s32 @!p0 $0xFFFFF086;
	s6 =	sadd.s32 @!p0 s3, s7;
	s7 =	simm.s32 @!p0 $0x108  }
0x21: {  	s3 =	sadd.s32 s3, s9;
	s6 =	sadd.s32 @!p0 $0x88, s6;
	s7 =	simm.s32 @p2 $0x1082  }
0x22: {  	[simem:s7], [sflag:s8] =	dma.local @!p0 [hbm:s6], $0xF7A  }
0x23: {  	s9 =	sor.u32 $0xD0000000, s2;
	s6 =	simm.s32 $0x108;
	_ =	swait.ge @!p0 [sflag:s8], $0x0  }
0x24: {  	s3 =	sadd.s32 $0x88, s3;
	s6 =	simm.s32 @!p1 $0x1082;
	[sflag:s4] =	ssyncset.s32 $0xFFFFF086  }
0x25: {  	[simem:s6], [sflag:s4] =	dma.local [hbm:s3], $0xF7A  }
0x26: {  	[smem:$0x3F93] =	sst s1;
	(tag) =	ssettag s2;
	_ =	strace s9  }
0x27: {  	s1 =	sld [smem:$0x3FA3]  }
0x28: {  	s2 =	sld [smem:$0x3FA4]  }
0x29: {  	s4 =	sld [smem:$0x3FA6]  }
0x2a: {  	p0 =	seq.s32 s5, $0x0;
	s5 =	sld [smem:$0x3FA7]  }
0x2b: {  	s6 =	sld [smem:$0x3FA8]  }
0x2c: {  	s7 =	sld [smem:$0x3FA9]  }
0x2d: {  	s3 =	simm.s32 $0x108;
	s8 =	sld [smem:$0x3FAA]  }
0x2e: {  	s3 =	simm.s32 @!p0 $0x1082;
	s9 =	sld [smem:$0x3FAB]  }
0x2f: {  	lr =	sadd.s32 s0, s3;
	s0 =	sld [smem:$0x3FA2]  }
0x30: {  	s3 =	sld [smem:$0x3FA5]  }
0x31: {  	[smem:$0x3FAE] =	sst s10  }
0x32: {  	s10 =	sld [smem:$0x3FAC];
	_ =	sdelay $0x3  }
0x33: {  	p0 =	seq.s32 s10, $0x1;
	s10 =	sld [smem:$0x3FAE];
	_ =	sdelay $0x3  }
0x34: {  	[smem:$0x3FAE] =	sst s10  }
0x35: {  	s10 =	sld [smem:$0x3FAD];
	_ =	sdelay $0x3  }
0x36: {  	p1 =	seq.s32 s10, $0x1;
	s10 =	sld [smem:$0x3FAE];
	_ =	sdelay $0x3  }
0x37: {  	[smem:$0x3FAE] =	sst s10  }
0x38: {  	s10 =	sld [smem:$0x3FAF]  }
0x39: {  	_ = 	snop;
	(pc) =	sbr.ind lr, $3  }
0x3a: {  	_ = 	snop  }
0x3b: {  	_ = 	snop  }
0x3c: {  	p2 =	seq.s32 s10, $0x1;
	s10 =	sld [smem:$0x3FAE]  }
0x3d: {  	_ =	shalt  }
0x3e: {  	_ =	shalt  }
0x3f: {  	_ =	shalt  }
0x40: {  	_ =	shalt  }
0x41: {  	_ =	shalt  }
0x42: {  	_ =	shalt  }
0x43: {  	_ =	shalt  }
0x44: {  	_ =	shalt  }
0x45: {  	_ =	shalt  }
0x46: {  	_ =	shalt  }
0x47: {  	_ =	shalt  }
0x48: {  	_ =	shalt  }
0x49: {  	_ =	shalt  }
0x4a: {  	_ =	shalt  }
0x4b: {  	_ =	shalt  }
0x4c: {  	_ =	shalt  }
0x4d: {  	_ =	shalt  }
0x4e: {  	_ =	shalt  }
0x4f: {  	_ =	shalt  }
0x50: {  	_ =	shalt  }
0x51: {  	_ =	shalt  }
0x52: {  	_ =	shalt  }
0x53: {  	_ =	shalt  }
0x54: {  	_ =	shalt  }
0x55: {  	_ =	shalt  }
0x56: {  	_ =	shalt  }
0x57: {  	_ =	shalt  }
0x58: {  	_ =	shalt  }
0x59: {  	_ =	shalt  }
0x5a: {  	_ =	shalt  }
0x5b: {  	_ =	shalt  }
0x5c: {  	_ =	shalt  }
0x5d: {  	_ =	shalt  }
0x5e: {  	_ =	shalt  }
0x5f: {  	_ =	shalt  }
0x60: {  	_ =	shalt  }
0x61: {  	_ =	shalt  }
0x62: {  	_ =	shalt  }
0x63: {  	_ =	shalt  }
0x64: {  	_ =	shalt  }
0x65: {  	_ =	shalt  }
0x66: {  	_ =	shalt  }
0x67: {  	_ =	shalt  }
0x68: {  	_ =	shalt  }
0x69: {  	_ =	shalt  }
0x6a: {  	_ =	shalt  }
0x6b: {  	_ =	shalt  }
0x6c: {  	_ =	shalt  }
0x6d: {  	_ =	shalt  }
0x6e: {  	_ =	shalt  }
0x6f: {  	_ =	shalt  }
0x70: {  	_ =	shalt  }
0x71: {  	_ =	shalt  }
0x72: {  	_ =	shalt  }
0x73: {  	_ =	shalt  }
0x74: {  	_ =	shalt  }
0x75: {  	_ =	shalt  }
0x76: {  	_ =	shalt  }
0x77: {  	_ =	shalt  }
0x78: {  	_ =	shalt  }
0x79: {  	_ =	shalt  }
0x7a: {  	_ =	shalt  }
0x7b: {  	_ =	shalt  }
0x7c: {  	_ =	shalt  }
0x7d: {  	_ =	shalt  }
0x7e: {  	_ =	shalt  }
0x7f: {  	_ =	shalt  }
0x80: {  	_ =	shalt  }
0x81: {  	_ =	shalt  }
0x82: {  	_ =	shalt  }
0x83: {  	_ =	shalt  }
0x84: {  	_ =	shalt  }
0x85: {  	_ =	shalt  }
0x86: {  	_ =	shalt  }
0x87: {  	_ =	shalt  }
.Lfunc_end0:
.L_simem_size_0:
called_computation.2_lowered:
.L_overlay_start_0:
0x88: {  	s2 =	sld [smem:$0x3FD9]  }
0x89: {  	s3 =	sld [smem:$0x3FFE];
	_ =	sdelay $0x1  }
0x8a: {  	s1 =	srdreg.scid  }
0x8b: {  	s0 =	sand.u32 $0x1, s1  }
0x8c: {  	s17 =	sshll.u32 s0, $0xA;
	s2 =	sadd.s32 s3, s2  }
0x8d: {  	s2 =	sadd.s32 s2, s17  }
0x8e: {  	[smem:$0x3FBA] =	sst s2  }
0x8f: {  	_ = 	snop  }
0x90: {  	s2 =	sld [smem:$0x3FD0];
	(tm) =	ssettm $0x1  }
0x91: {  	s18 =	sld [smem:$0x3FFB];
	_ =	sdelay $0x3  }
0x92: {  	_ =	strace s18  }
0x93: {  	s3 =	sld [smem:$0x3FFC];
	_ =	sdelay $0x3  }
0x94: {  	_ =	strace s3  }
0x95: {  	s3 =	sld [smem:$0x3FFD];
	_ =	sdelay $0x3  }
0x96: {  	_ =	strace s3  }
0x97: {  	_ =	strace $0x8FFFFFFF  }
0x98: {  	s19 =	sld [smem:$0x3FDB];
	_ =	sdelay $0x1  }
0x99: {  	s4 =	simm.s32 $_scs_section_size  }
0x9a: {  	s5 =	simm.s32 $_size__tile_overlayer_lowered;
	s6 =	simm.s32 $_tile_overlayer_lowered  }
0x9b: {  	s22 =	simm.s32 $0x1BFF;
	s21 =	sshll.u32 s6, $0x1;
	s3 =	sadd.s32 s4, s19  }
0x9c: {  	s7 =	simm.s32 $0x0;
	s20 =	sshll.u32 s5, $0x1;
	s5 =	sadd.s32 s21, s3  }
0x9d: {  	[timem:s7], [sflag:s22] =	dma.local [hbm:s5], s20  }
0x9e: {  	_ =	swait.ge [sflag:s22], s20  }
0x9f: {  	s4 =	ssub.s32 $0x0, s20;
	[sflag:s22] =	ssyncset.done $0x0  }
0xa0: {  	[sflag:s22] =	ssyncadd.s32 s4;
	_ =	sdelay $0x1  }
0xa1: {  	s23 =	simm.s32 $0x1B8B  }
0xa2: {  	_ =	swait.ge [sflag:s23], $0x1  }
0xa3: {  	[sflag:s23] =	ssyncset.done $0x0  }
0xa4: {  	s25 =	simm.s32 $0x1B8E;
	s24 =	sld [smem:$0x3FFE];
	[sflag:s23] =	ssyncadd.s32 $0xFFFFFFFF  }
0xa5: {  	s26 =	simm.s32 $execute0_lowered;
	[smem:$0x3FD2] =	sst s25  }
0xa6: {  	s5 =	sshll.u32 s26, $0x1;
	_ =	strace $0x8000004C;
	[dreg:$0x1] =	wrdreg $0xFFFFFFFF  }
0xa7: {  	s28 =	simm.s32 $_size_execute0_lowered;
	s3 =	sadd.s32 s3, s5;
	[dreg:$0x0] =	wrdreg $0x0  }
0xa8: {  	s5 =	sshll.u32 s28, $0x1;
	[dreg:$0x2] =	wrdreg s3  }
0xa9: {  	[dreg:$0x3] =	wrdreg s5  }
0xaa: {  	[dreg:$0x4] =	wrdreg $0xC0  }
0xab: {  	_ =	task [dreg:s7], $0x5FFFF  }
0xac: {  	[dreg:$0x1] =	wrdreg $0xFFFFFFFF  }
0xad: {  	[dreg:$0x0] =	wrdreg $0x60  }
0xae: {  	[dreg:$0x2] =	wrdreg s2  }
0xaf: {  	[dreg:$0x3] =	wrdreg s24  }
0xb0: {  	[dreg:$0x4] =	wrdreg $0x9  }
0xb1: {  	_ =	task.clear_ibuf [dreg:s7], $0x5FFFF;
	_ =	strace $0x9000004C  }
0xb2: {  	s29 =	simm.s32 $0x9;
	_ =	strace $0x8000004E  }
0xb3: {  	_ =	swait.ge [sflag:s29], $0x1  }
0xb4: {  	[sflag:s29] =	ssyncadd.s32 $0xFFFFFFFF  }
0xb5: {  	_ =	strace $0x9000004E  }
0xb6: {  	_ =	sfence  }
0xb7: {  	s30 =	sld [smem:$0x0];
	_ =	sdelay $0x2  }
0xb8: {  	s31 =	sshll.u32 s1, $0xD;
	s1 =	sshrl.u32 s1, $0x2  }
0xb9: {  	s3 =	sand.u32 $0x4000, s31;
	s1 =	sadd.s32 s1, s30  }
0xba: {  	s0 =	sor.u32 s3, s0;
	s1 =	sshll.u32 s1, $0x11  }
0xbb: {  	s0 =	sor.u32 s1, s0  }
0xbc: {  	s0 =	sadd.s32 $0x8F2B, s0  }
0xbd: {  	[sflag:s0] =	ssyncadd.remote.s32 $0x1  }
0xbe: {  	_ =	sfence.sel $0xFFFF  }
0xbf: {  	[dreg:$0x0] =	wrdreg $0xFFFFFFFF;
	(pc) =	sbr.abs _section_cstart, $3  }
0xc0: {  	[dreg:$0x1] =	wrdreg $0xFFFFFFFF  }
0xc1: {  	_ =	task.clear_ibuf [dreg:s7], $0x2FFFF;
	_ =	strace $0x9FFFFFFF  }
0xc2: {  	(tm) =	ssettm $0x7FFFFFFF  }
0xc3: {  	_ =	shalt  }
tec
execute0_lowered:
.L_overlay_start_1:
0x0: {  	(tag) =	ssettag $0x1  }
0x1: {  	s0 =	srdreg.scid;
	s2 =	rddreg [dreg:$0x0]  }
0x2: {  	s6 =	rddreg [dreg:$0x1];
	s4 =	sand.u32 $0x1, s0  }
0x3: {  	s0 =	stileid.u32;
	s5 =	smul.u32 $0x27100, s4  }
0x4: {  	s1 =	rddreg [dreg:$0x2];
	s3 =	simm.s32 $0x0;
	s7 =	smul.u32 $0x2710, s0  }
0x5: {  	s9 =	simm.s32 $0x0;
	[smem:$0x7FF] =	sst s3;
	s4 =	ssub.s32 $0x2, s4  }
0x6: {  	_ =	strace $0x8000004D;
	s8 =	sshrl.u32 s4, $0x1;
	s5 =	sadd.s32 s7, s5  }
0x7: {  	s4 =	ssub.s32 s4, s8;
	s8 =	simm.s32 $0x50;
	s7 =	sshrl.u32 s5, $0x3  }
0x8: {  	s5 =	sadd.s32 s5, s6;
	s4 =	smax.u32 s4, $0x1;
	s7 =	sadd.s32 s7, s6  }
0x9: {  	s5 =	sadd.s32 $0xA01E00, s5;
	s6 =	sadd.s32 $0xCE00, s7;
	s7 =	simm.s32 $0x1  }
.LBB2_1:
0xa: {  	s10 =	sadd.s32 $0x0, s6  }
0xb: {  	[tilespmem:s3], [sflag:$0x1] =	stream.linear.gather [hbm4b:s10+s3], $0x50, $0x38;
	[tilespmem:$0x2D0] =	vst v63  }
0xc: {  	_ =	swait.ge [sflag:s7], $0x50  }
0xd: {  	[sflag:s7] =	ssyncset.done $0x0  }
0xe: {  	[sflag:s7] =	ssyncadd.s32 $0xFFFFFFB0  }
0xf: {  	[tilespmem:s8], [sflag:$0x1] =	stream.indirect.gather [hbm4b:s2+s8], $0x8, s3, s8, $0xb8;
	[tilespmem:$0x2D0] =	vst v63  }
0x10: {  	_ =	swait.ge [sflag:s7], $0x280  }
0x11: {  	[sflag:s7] =	ssyncset.done $0x0  }
0x12: {  	[sflag:s7] =	ssyncadd.s32 $0xFFFFFD80  }
0x13: {  	[hbm4b:s5+s3] =	stream.linear.scatter [tilespmem:s8], [sflag:$0x1], $0x280, $0x38;
	[tilespmem:$0x2D0] =	vst v63  }
0x14: {  	s11 =	simm.s32 $0xA;
	_ =	swait.ge [sflag:s7], $0x280  }
0x15: {  	s12 =	simm.s32 $0x14;
	s10 =	sadd.s32 $0x50, s5;
	[sflag:s7] =	ssyncset.done $0x0  }
.LBB2_2:
0x16: {  	s13 =	sadd.s32 s11, s6  }
0x17: {  	[sflag:s7] =	ssyncadd.s32 $0xFFFFFD80;
	s11 =	smov.u32 s12;
	s14 =	sadd.s32 $0xA, s12  }
0x18: {  	[tilespmem:s3], [sflag:$0x1] =	stream.linear.gather [hbm4b:s13+s3], $0x50, $0x38;
	[tilespmem:$0x2D0] =	vst v63  }
0x19: {  	p0 =	sne.s32 s12, $0x4D8;
	_ =	swait.ge [sflag:s7], $0x50  }
0x1a: {  	[sflag:s7] =	ssyncset.done $0x0  }
0x1b: {  	[sflag:s7] =	ssyncadd.s32 $0xFFFFFFB0  }
0x1c: {  	[tilespmem:s8], [sflag:$0x1] =	stream.indirect.gather [hbm4b:s2+s8], $0x8, s3, s8, $0xb8;
	[tilespmem:$0x2D0] =	vst v63  }
0x1d: {  	_ =	swait.ge [sflag:s7], $0x280  }
.Ltmp0:
0x1e: {  	[sflag:s7] =	ssyncset.done $0x0;
	(pc) =	sbr.rel @p0 .LBB2_2-.Ltmp0, $4  }
0x1f: {  	[sflag:s7] =	ssyncadd.s32 $0xFFFFFD80  }
0x20: {  	[hbm4b:s10+s3] =	stream.linear.scatter [tilespmem:s8], [sflag:$0x1], $0x280, $0x38;
	[tilespmem:$0x2D0] =	vst v63  }
0x21: {  	_ =	swait.ge [sflag:s7], $0x280  }
0x22: {  	s12 =	smov.u32 s14;
	s10 =	sadd.s32 $0x50, s10;
	[sflag:s7] =	ssyncset.done $0x0  }
0x23: {  	s11 =	sadd.s32 s11, s6;
	[sflag:s7] =	ssyncadd.s32 $0xFFFFFD80  }
0x24: {  	[tilespmem:s3], [sflag:$0x1] =	stream.linear.gather [hbm4b:s11+s3], $0x50, $0x38;
	[tilespmem:$0x2D0] =	vst v63  }
0x25: {  	_ =	swait.ge [sflag:s7], $0x50  }
0x26: {  	[sflag:s7] =	ssyncset.done $0x0  }
0x27: {  	[sflag:s7] =	ssyncadd.s32 $0xFFFFFFB0  }
0x28: {  	[tilespmem:s8], [sflag:$0x1] =	stream.indirect.gather [hbm4b:s2+s8], $0x8, s3, s8, $0xb8;
	[tilespmem:$0x2D0] =	vst v63  }
0x29: {  	s9 =	sadd.s32 $0x1, s9;
	_ =	swait.ge [sflag:s7], $0x280  }
0x2a: {  	p0 =	sne.s32 s9, s4;
	[sflag:s7] =	ssyncset.done $0x0  }
.Ltmp1:
0x2b: {  	[sflag:s7] =	ssyncadd.s32 $0xFFFFFD80;
	(pc) =	sbr.rel @p0 .LBB2_1-.Ltmp1, $4  }
0x2c: {  	[hbm4b:s10+s3] =	stream.linear.scatter [tilespmem:s8], [sflag:$0x1], $0x280, $0x38;
	[tilespmem:$0x2D0] =	vst v63  }
0x2d: {  	_ =	swait.ge [sflag:s7], $0x280  }
0x2e: {  	[sflag:s7] =	ssyncset.done $0x0  }
0x2f: {  	[sflag:s7] =	ssyncadd.s32 $0xFFFFFD80  }
0x30: {  	_ =	sfence.sel $0x180000  }
0x31: {  	[bflag:$0x0] =	sbarrier.arrive $0xFFFF  }
0x32: {  	p0 =	sne.s32 s0, $0x0;
	_ =	strace $0x9000004D  }
0x33: {  	s0 =	sadd.s32 @!p0 $0x100000, s1;
	[bflag:$0x2] =	sbarrier.arrive $0xFFFF  }
0x34: {  	[sflag:s0] =	ssyncadd.tile.s32 @!p0 $0x1;
	_ =	shalt  }
.Lfunc_end2:
_tile_overlayer_lowered:
.L_overlay_start_2:
0x35: {  	(tag) =	ssettag $0x2  }
0x36: {  	s0 =	rddreg [dreg:$0x0];
	s2 =	stileid.u32  }
0x37: {  	s1 =	rddreg [dreg:$0x1];
	p0 =	sne.s32 s2, $0x0  }
0x38: {  	s3 =	rddreg [dreg:$0x2];
	[bflag:$0x3] =	sbarrier.arrive $0xFFFF;
	s2 =	simm.s32 @!p0 $0x1C01  }
0x39: {  	[timem:s3], [sflag:s2] =	dma.local @!p0 [hbm:s0], s1  }
0x3a: {  	s0 =	simm.s32 @!p0 $0x1  }
0x3b: {  	_ =	swait.ge @!p0 [sflag:s0], s1  }
0x3c: {  	s1 =	ssub.s32 @!p0 $0x0, s1;
	[sflag:s0] =	ssyncset.done @!p0 $0x0  }
0x3d: {  	[sflag:s0] =	ssyncadd.s32 @!p0 s1  }
0x3e: {  	[bflag:$0x3] =	sbarrier.arrive $0xFFFF  }
0x3f: {  	_ =	shalt  }

// kernel: kernel.21.cloned.1.call-start
scs
__scs_entry_jumppad:
0x0: {  	(pc) =	sbr.rel $0x88, $3  }
0x1: {  	(tag) =	ssettag $0x0;
	lr =	simm.s32 $0x1  }
0x2: {  	[smem:$0x3F93] =	sst lr;
	_ =	strace $0xD0000000  }
0x3: {  	_ = 	snop  }
0x4: {  	_ = 	snop  }
0x5: {  	_ = 	snop  }
0x6: {  	_ = 	snop  }
0x7: {  	_ = 	snop  }
__scs_overlays_trampoline_lowered:
0x8: {  	[smem:$0x3FA2] =	sst s0  }
0x9: {  	[smem:$0x3FA3] =	sst s1  }
0xa: {  	[smem:$0x3FA4] =	sst s2  }
0xb: {  	[smem:$0x3FA5] =	sst s3  }
0xc: {  	[smem:$0x3FA6] =	sst s4  }
0xd: {  	[smem:$0x3FA7] =	sst s5  }
0xe: {  	[smem:$0x3FA8] =	sst s6  }
0xf: {  	[smem:$0x3FA9] =	sst s7  }
0x10: {  	[smem:$0x3FAA] =	sst s8  }
0x11: {  	[smem:$0x3FAB] =	sst s9;
	s0 =	simm.s32 @!p0 $0x0  }
0x12: {  	s1 =	sld [smem:$0x3F91];
	s0 =	simm.s32 @p0 $0x1  }
0x13: {  	[smem:$0x3FAC] =	sst s0;
	s0 =	simm.s32 @!p1 $0x0  }
0x14: {  	s2 =	sld [smem:$0x3F90];
	s0 =	simm.s32 @p1 $0x1  }
0x15: {  	[smem:$0x3FAD] =	sst s0;
	s0 =	simm.s32 @!p2 $0x0  }
0x16: {  	s3 =	sld [smem:$0x3FDB];
	s0 =	simm.s32 @p2 $0x1  }
0x17: {  	s4 =	simm.s32 $0x1BF5;
	[smem:$0x3FAF] =	sst s0  }
0x18: {  	s0 =	sld [smem:$0x3F92];
	_ =	swait.ge [sflag:s4], $0x0  }
0x19: {  	s7 =	sld [smem:$0x3F93]  }
0x1a: {  	s8 =	sadd.s32 $0xFFFFE003, lr  }
0x1b: {  	s9 =	sadd.s32 $0xFFFFFEF7, lr;
	s5 =	simm.s32 $0xFFFFFFFF;
	p2 =	slt.u32 s8, $0xFFFFF086  }
0x1c: {  	p1 =	slt.u32 s9, $0xF7A;
	s5 =	simm.s32 @!p2 $0x0  }
0x1d: {  	s5 =	simm.s32 @p1 $0x1;
	p0 =	seq.s32 s7, s2  }
0x1e: {  	s7 =	smul.u32 @!p0 $0xF7A, s2;
	p2 =	seq.s32 @!p0 s5, $0x0  }
0x1f: {  	s9 =	smul.u32 $0xF7A, s1;
	s8 =	simm.s32 @!p0 $0x1BF5;
	p2 =	por !p2, p0  }
0x20: {  	[sflag:s8] =	ssyncset.s32 @!p0 $0xFFFFF086;
	s6 =	sadd.s32 @!p0 s3, s7;
	s7 =	simm.s32 @!p0 $0x108  }
0x21: {  	s3 =	sadd.s32 s3, s9;
	s6 =	sadd.s32 @!p0 $0x88, s6;
	s7 =	simm.s32 @p2 $0x1082  }
0x22: {  	[simem:s7], [sflag:s8] =	dma.local @!p0 [hbm:s6], $0xF7A  }
0x23: {  	s9 =	sor.u32 $0xD0000000, s2;
	s6 =	simm.s32 $0x108;
	_ =	swait.ge @!p0 [sflag:s8], $0x0  }
0x24: {  	s3 =	sadd.s32 $0x88, s3;
	s6 =	simm.s32 @!p1 $0x1082;
	[sflag:s4] =	ssyncset.s32 $0xFFFFF086  }
0x25: {  	[simem:s6], [sflag:s4] =	dma.local [hbm:s3], $0xF7A  }
0x26: {  	[smem:$0x3F93] =	sst s1;
	(tag) =	ssettag s2;
	_ =	strace s9  }
0x27: {  	s1 =	sld [smem:$0x3FA3]  }
0x28: {  	s2 =	sld [smem:$0x3FA4]  }
0x29: {  	s4 =	sld [smem:$0x3FA6]  }
0x2a: {  	p0 =	seq.s32 s5, $0x0;
	s5 =	sld [smem:$0x3FA7]  }
0x2b: {  	s6 =	sld [smem:$0x3FA8]  }
0x2c: {  	s7 =	sld [smem:$0x3FA9]  }
0x2d: {  	s3 =	simm.s32 $0x108;
	s8 =	sld [smem:$0x3FAA]  }
0x2e: {  	s3 =	simm.s32 @!p0 $0x1082;
	s9 =	sld [smem:$0x3FAB]  }
0x2f: {  	lr =	sadd.s32 s0, s3;
	s0 =	sld [smem:$0x3FA2]  }
0x30: {  	s3 =	sld [smem:$0x3FA5]  }
0x31: {  	[smem:$0x3FAE] =	sst s10  }
0x32: {  	s10 =	sld [smem:$0x3FAC];
	_ =	sdelay $0x3  }
0x33: {  	p0 =	seq.s32 s10, $0x1;
	s10 =	sld [smem:$0x3FAE];
	_ =	sdelay $0x3  }
0x34: {  	[smem:$0x3FAE] =	sst s10  }
0x35: {  	s10 =	sld [smem:$0x3FAD];
	_ =	sdelay $0x3  }
0x36: {  	p1 =	seq.s32 s10, $0x1;
	s10 =	sld [smem:$0x3FAE];
	_ =	sdelay $0x3  }
0x37: {  	[smem:$0x3FAE] =	sst s10  }
0x38: {  	s10 =	sld [smem:$0x3FAF]  }
0x39: {  	_ = 	snop;
	(pc) =	sbr.ind lr, $3  }
0x3a: {  	_ = 	snop  }
0x3b: {  	_ = 	snop  }
0x3c: {  	p2 =	seq.s32 s10, $0x1;
	s10 =	sld [smem:$0x3FAE]  }
0x3d: {  	_ =	shalt  }
0x3e: {  	_ =	shalt  }
0x3f: {  	_ =	shalt  }
0x40: {  	_ =	shalt  }
0x41: {  	_ =	shalt  }
0x42: {  	_ =	shalt  }
0x43: {  	_ =	shalt  }
0x44: {  	_ =	shalt  }
0x45: {  	_ =	shalt  }
0x46: {  	_ =	shalt  }
0x47: {  	_ =	shalt  }
0x48: {  	_ =	shalt  }
0x49: {  	_ =	shalt  }
0x4a: {  	_ =	shalt  }
0x4b: {  	_ =	shalt  }
0x4c: {  	_ =	shalt  }
0x4d: {  	_ =	shalt  }
0x4e: {  	_ =	shalt  }
0x4f: {  	_ =	shalt  }
0x50: {  	_ =	shalt  }
0x51: {  	_ =	shalt  }
0x52: {  	_ =	shalt  }
0x53: {  	_ =	shalt  }
0x54: {  	_ =	shalt  }
0x55: {  	_ =	shalt  }
0x56: {  	_ =	shalt  }
0x57: {  	_ =	shalt  }
0x58: {  	_ =	shalt  }
0x59: {  	_ =	shalt  }
0x5a: {  	_ =	shalt  }
0x5b: {  	_ =	shalt  }
0x5c: {  	_ =	shalt  }
0x5d: {  	_ =	shalt  }
0x5e: {  	_ =	shalt  }
0x5f: {  	_ =	shalt  }
0x60: {  	_ =	shalt  }
0x61: {  	_ =	shalt  }
0x62: {  	_ =	shalt  }
0x63: {  	_ =	shalt  }
0x64: {  	_ =	shalt  }
0x65: {  	_ =	shalt  }
0x66: {  	_ =	shalt  }
0x67: {  	_ =	shalt  }
0x68: {  	_ =	shalt  }
0x69: {  	_ =	shalt  }
0x6a: {  	_ =	shalt  }
0x6b: {  	_ =	shalt  }
0x6c: {  	_ =	shalt  }
0x6d: {  	_ =	shalt  }
0x6e: {  	_ =	shalt  }
0x6f: {  	_ =	shalt  }
0x70: {  	_ =	shalt  }
0x71: {  	_ =	shalt  }
0x72: {  	_ =	shalt  }
0x73: {  	_ =	shalt  }
0x74: {  	_ =	shalt  }
0x75: {  	_ =	shalt  }
0x76: {  	_ =	shalt  }
0x77: {  	_ =	shalt  }
0x78: {  	_ =	shalt  }
0x79: {  	_ =	shalt  }
0x7a: {  	_ =	shalt  }
0x7b: {  	_ =	shalt  }
0x7c: {  	_ =	shalt  }
0x7d: {  	_ =	shalt  }
0x7e: {  	_ =	shalt  }
0x7f: {  	_ =	shalt  }
0x80: {  	_ =	shalt  }
0x81: {  	_ =	shalt  }
0x82: {  	_ =	shalt  }
0x83: {  	_ =	shalt  }
0x84: {  	_ =	shalt  }
0x85: {  	_ =	shalt  }
0x86: {  	_ =	shalt  }
0x87: {  	_ =	shalt  }
.Lfunc_end0:
.L_simem_size_0:
called_computation.3_lowered:
.L_overlay_start_0:
0x88: {  	s2 =	sld [smem:$0x3FD9]  }
0x89: {  	s3 =	sld [smem:$0x3FFE];
	_ =	sdelay $0x1  }
0x8a: {  	s1 =	srdreg.scid  }
0x8b: {  	s0 =	sand.u32 $0x1, s1  }
0x8c: {  	s17 =	sshll.u32 s0, $0xA;
	s2 =	sadd.s32 s3, s2  }
0x8d: {  	s2 =	sadd.s32 s2, s17  }
0x8e: {  	[smem:$0x3FBA] =	sst s2  }
0x8f: {  	_ = 	snop  }
0x90: {  	s2 =	sld [smem:$0x3FD0];
	(tm) =	ssettm $0x1  }
0x91: {  	s18 =	sld [smem:$0x3FFB];
	_ =	sdelay $0x3  }
0x92: {  	_ =	strace s18  }
0x93: {  	s3 =	sld [smem:$0x3FFC];
	_ =	sdelay $0x3  }
0x94: {  	_ =	strace s3  }
0x95: {  	s3 =	sld [smem:$0x3FFD];
	_ =	sdelay $0x3  }
0x96: {  	_ =	strace s3  }
0x97: {  	_ =	strace $0x8FFFFFFF  }
0x98: {  	s19 =	sld [smem:$0x3FDB];
	_ =	sdelay $0x1  }
0x99: {  	s4 =	simm.s32 $_scs_section_size  }
0x9a: {  	s5 =	simm.s32 $_size__tile_overlayer_lowered;
	s6 =	simm.s32 $_tile_overlayer_lowered  }
0x9b: {  	s22 =	simm.s32 $0x1BFF;
	s21 =	sshll.u32 s6, $0x1;
	s3 =	sadd.s32 s4, s19  }
0x9c: {  	s7 =	simm.s32 $0x0;
	s20 =	sshll.u32 s5, $0x1;
	s5 =	sadd.s32 s21, s3  }
0x9d: {  	[timem:s7], [sflag:s22] =	dma.local [hbm:s5], s20  }
0x9e: {  	_ =	swait.ge [sflag:s22], s20  }
0x9f: {  	s4 =	ssub.s32 $0x0, s20;
	[sflag:s22] =	ssyncset.done $0x0  }
0xa0: {  	[sflag:s22] =	ssyncadd.s32 s4;
	_ =	sdelay $0x1  }
0xa1: {  	s23 =	simm.s32 $0x1B8B  }
0xa2: {  	_ =	swait.ge [sflag:s23], $0x1  }
0xa3: {  	[sflag:s23] =	ssyncset.done $0x0  }
0xa4: {  	s25 =	simm.s32 $0x1B8E;
	s24 =	sld [smem:$0x3FFE];
	[sflag:s23] =	ssyncadd.s32 $0xFFFFFFFF  }
0xa5: {  	s26 =	simm.s32 $execute0_lowered;
	[smem:$0x3FD2] =	sst s25  }
0xa6: {  	s5 =	sshll.u32 s26, $0x1;
	_ =	strace $0x8000004F;
	[dreg:$0x1] =	wrdreg $0xFFFFFFFF  }
0xa7: {  	s28 =	simm.s32 $_size_execute0_lowered;
	s3 =	sadd.s32 s3, s5;
	[dreg:$0x0] =	wrdreg $0x0  }
0xa8: {  	s5 =	sshll.u32 s28, $0x1;
	[dreg:$0x2] =	wrdreg s3  }
0xa9: {  	[dreg:$0x3] =	wrdreg s5  }
0xaa: {  	[dreg:$0x4] =	wrdreg $0xC0  }
0xab: {  	_ =	task [dreg:s7], $0x5FFFF  }
0xac: {  	[dreg:$0x1] =	wrdreg $0xFFFFFFFF  }
0xad: {  	[dreg:$0x0] =	wrdreg $0x60  }
0xae: {  	[dreg:$0x2] =	wrdreg s24  }
0xaf: {  	[dreg:$0x3] =	wrdreg s2  }
0xb0: {  	[dreg:$0x4] =	wrdreg $0x28800  }
0xb1: {  	[dreg:$0x5] =	wrdreg $0x9  }
0xb2: {  	_ =	task.clear_ibuf [dreg:s7], $0x6FFFF;
	_ =	strace $0x9000004F  }
0xb3: {  	s29 =	simm.s32 $0x9;
	_ =	strace $0x80000051  }
0xb4: {  	_ =	swait.ge [sflag:s29], $0x1  }
0xb5: {  	[sflag:s29] =	ssyncadd.s32 $0xFFFFFFFF  }
0xb6: {  	_ =	strace $0x90000051  }
0xb7: {  	_ =	sfence  }
0xb8: {  	s30 =	sld [smem:$0x0];
	_ =	sdelay $0x2  }
0xb9: {  	s31 =	sshll.u32 s1, $0xD;
	s1 =	sshrl.u32 s1, $0x2  }
0xba: {  	s3 =	sand.u32 $0x4000, s31;
	s1 =	sadd.s32 s1, s30  }
0xbb: {  	s0 =	sor.u32 s3, s0;
	s1 =	sshll.u32 s1, $0x11  }
0xbc: {  	s0 =	sor.u32 s1, s0  }
0xbd: {  	s0 =	sadd.s32 $0x8F2B, s0  }
0xbe: {  	[sflag:s0] =	ssyncadd.remote.s32 $0x1  }
0xbf: {  	_ =	sfence.sel $0xFFFF  }
0xc0: {  	[dreg:$0x0] =	wrdreg $0xFFFFFFFF;
	(pc) =	sbr.abs _section_cstart, $3  }
0xc1: {  	[dreg:$0x1] =	wrdreg $0xFFFFFFFF  }
0xc2: {  	_ =	task.clear_ibuf [dreg:s7], $0x2FFFF;
	_ =	strace $0x9FFFFFFF  }
0xc3: {  	(tm) =	ssettm $0x7FFFFFFF  }
tec
execute0_lowered:
.L_overlay_start_1:
0x0: {  	(tag) =	ssettag $0x1  }
0x1: {  	s4 =	rddreg [dreg:$0x0];
	s1 =	srdreg.scid  }
0x2: {  	s0 =	rddreg [dreg:$0x1];
	s7 =	stileid.u32  }
0x3: {  	s2 =	rddreg [dreg:$0x2];
	s9 =	smul.u32 $0x2710, s7  }
0x4: {  	s3 =	simm.s32 $0x0;
	s5 =	sand.u32 $0x1, s1;
	s10 =	smul.u32 $0x27100, s7  }
0x5: {  	s11 =	simm.s32 $0x50;
	s1 =	rddreg [dreg:$0x3];
	s6 =	smul.u32 $0x271000, s5  }
0x6: {  	s12 =	simm.s32 $0x0;
	[smem:$0x7FF] =	sst s3;
	s8 =	smul.u32 $0x27100, s5  }
0x7: {  	p0 =	sne.s32 s7, $0x0;
	_ =	strace $0x80000050;
	s5 =	ssub.s32 $0x2, s5  }
0x8: {  	s31 =	sshrl.u32 s5, $0x1;
	s6 =	sadd.s32 s6, s4;
	s9 =	sadd.s32 s9, s8  }
0x9: {  	s5 =	ssub.s32 s5, s31;
	s9 =	sshrl.u32 s9, $0x3;
	s6 =	sadd.s32 s10, s6  }
0xa: {  	s5 =	smax.u32 s5, $0x1;
	s10 =	simm.s32 $0x80;
	s9 =	sadd.s32 s9, s4  }
0xb: {  	s4 =	sadd.s32 s8, s4;
	s6 =	sadd.s32 $0xA01E00, s6;
	s8 =	sshrl.u32 @!p0 s2, $0x3  }
0xc: {  	s4 =	sadd.s32 $0x16C00, s4;
	s7 =	sadd.s32 $0xCE00, s9;
	s9 =	simm.s32 $0x1  }
.LBB2_1:
0xd: {  	s13 =	simm.s32 @!p0 $0x1C01  }
0xe: {  	[spmem:s8], [sflag:s13] =	dma.local @!p0 [hbm:s0], $0x27100  }
0xf: {  	s13 =	simm.s32 @!p0 $0x1  }
0x10: {  	_ =	swait.ge @!p0 [sflag:s13], $0x27100  }
0x11: {  	[sflag:s13] =	ssyncset.done @!p0 $0x0  }
0x12: {  	[sflag:s13] =	ssyncadd.s32 @!p0 $0xFFFD8F00  }
0x13: {  	s31 =	sadd.s32 $0x0, s7;
	[bflag:$0x0] =	sbarrier.arrive $0xFFFF  }
0x14: {  	[tilespmem:s3], [sflag:$0x1] =	stream.linear.gather [hbm4b:s31+s3], $0x50, $0x38;
	[tilespmem:$0x16100] =	vst v63  }
0x15: {  	_ =	swait.ge [sflag:s9], $0x50  }
0x16: {  	[sflag:s9] =	ssyncset.done $0x0  }
0x17: {  	[sflag:s9] =	ssyncadd.s32 $0xFFFFFFB0  }
0x18: {  	[tilespmem:s10], [sflag:$0x1] =	stream.linear.gather [hbm4b:s6+s3], $0x2800, $0x38;
	[tilespmem:$0x16100] =	vst v63  }
0x19: {  	_ =	swait.ge [sflag:s9], $0x2800  }
0x1a: {  	[sflag:s9] =	ssyncset.done $0x0  }
0x1b: {  	[sflag:s9] =	ssyncadd.s32 $0xFFFFD800  }
0x1c: {  	[spmem:s2] =	stream.indirect.scatter.add.f32 [tilespmem:s10], [sflag:$0x1], $0x80, s3, s11, $0xb8;
	[tilespmem:$0x16100] =	vst v63  }
0x1d: {  	s14 =	simm.s32 $0xA;
	_ =	swait.ge [sflag:s9], $0x2800  }
0x1e: {  	s15 =	simm.s32 $0x14;
	s13 =	sadd.s32 $0x500, s6;
	[sflag:s9] =	ssyncset.done $0x0  }
.LBB2_2:
0x1f: {  	s16 =	sadd.s32 s14, s7  }
0x20: {  	[sflag:s9] =	ssyncadd.s32 $0xFFFFD800;
	s14 =	smov.u32 s15;
	s17 =	sadd.s32 $0xA, s15  }
0x21: {  	[tilespmem:s3], [sflag:$0x1] =	stream.linear.gather [hbm4b:s16+s3], $0x50, $0x38;
	[tilespmem:$0x16100] =	vst v63  }
0x22: {  	p1 =	sne.s32 s15, $0x4D8;
	_ =	swait.ge [sflag:s9], $0x50  }
0x23: {  	[sflag:s9] =	ssyncset.done $0x0  }
0x24: {  	[sflag:s9] =	ssyncadd.s32 $0xFFFFFFB0  }
0x25: {  	[tilespmem:s10], [sflag:$0x1] =	stream.linear.gather [hbm4b:s13+s3], $0x2800, $0x38;
	[tilespmem:$0x16100] =	vst v63  }
0x26: {  	_ =	swait.ge [sflag:s9], $0x2800  }
.Ltmp0:
0x27: {  	[sflag:s9] =	ssyncset.done $0x0;
	(pc) =	sbr.rel @p1 .LBB2_2-.Ltmp0, $4  }
0x28: {  	[sflag:s9] =	ssyncadd.s32 $0xFFFFD800  }
0x29: {  	[spmem:s2] =	stream.indirect.scatter.add.f32 [tilespmem:s10], [sflag:$0x1], $0x80, s3, s11, $0xb8;
	[tilespmem:$0x16100] =	vst v63  }
0x2a: {  	_ =	swait.ge [sflag:s9], $0x2800  }
0x2b: {  	s15 =	smov.u32 s17;
	s13 =	sadd.s32 $0x500, s13;
	[sflag:s9] =	ssyncset.done $0x0  }
0x2c: {  	s14 =	sadd.s32 s14, s7;
	[sflag:s9] =	ssyncadd.s32 $0xFFFFD800  }
0x2d: {  	[tilespmem:s3], [sflag:$0x1] =	stream.linear.gather [hbm4b:s14+s3], $0x50, $0x38;
	[tilespmem:$0x16100] =	vst v63  }
0x2e: {  	_ =	swait.ge [sflag:s9], $0x50  }
0x2f: {  	[sflag:s9] =	ssyncset.done $0x0  }
0x30: {  	[sflag:s9] =	ssyncadd.s32 $0xFFFFFFB0  }
0x31: {  	[tilespmem:s10], [sflag:$0x1] =	stream.linear.gather [hbm4b:s13+s3], $0x2800, $0x38;
	[tilespmem:$0x16100] =	vst v63  }
0x32: {  	_ =	swait.ge [sflag:s9], $0x2800  }
0x33: {  	[sflag:s9] =	ssyncset.done $0x0  }
0x34: {  	[sflag:s9] =	ssyncadd.s32 $0xFFFFD800  }
0x35: {  	[spmem:s2] =	stream.indirect.scatter.add.f32 [tilespmem:s10], [sflag:$0x1], $0x80, s3, s11, $0xb8;
	[tilespmem:$0x16100] =	vst v63  }
0x36: {  	_ =	swait.ge [sflag:s9], $0x2800  }
0x37: {  	[sflag:s9] =	ssyncset.done $0x0  }
0x38: {  	s12 =	sadd.s32 $0x1, s12;
	[sflag:s9] =	ssyncadd.s32 $0xFFFFD800  }
0x39: {  	p1 =	sne.s32 s12, s5;
	s13 =	simm.s32 @!p0 $0x1C01;
	[bflag:$0x0] =	sbarrier.arrive $0xFFFF  }
0x3a: {  	[hbm:s4], [sflag:s13] =	dma.local @!p0 [spmem:s8], $0x27100  }
.Ltmp1:
0x3b: {  	_ = 	snop;
	(pc) =	sbr.rel @p1 .LBB2_1-.Ltmp1, $4  }
0x3c: {  	s13 =	simm.s32 @!p0 $0x1  }
0x3d: {  	_ =	swait.ge @!p0 [sflag:s13], $0x27100  }
0x3e: {  	[sflag:s13] =	ssyncset.done @!p0 $0x0  }
0x3f: {  	[sflag:s13] =	ssyncadd.s32 @!p0 $0xFFFD8F00  }
0x40: {  	_ =	sfence.sel $0x180000  }
0x41: {  	[bflag:$0x0] =	sbarrier.arrive $0xFFFF  }
0x42: {  	_ =	strace $0x90000050  }
0x43: {  	s0 =	sadd.s32 @!p0 $0x100000, s1;
	[bflag:$0x2] =	sbarrier.arrive $0xFFFF  }
0x44: {  	[sflag:s0] =	ssyncadd.tile.s32 @!p0 $0x1;
	_ =	shalt  }
.Lfunc_end2:
_tile_overlayer_lowered:
.L_overlay_start_2:
0x45: {  	(tag) =	ssettag $0x2  }
0x46: {  	s0 =	rddreg [dreg:$0x0];
	s2 =	stileid.u32  }
0x47: {  	s1 =	rddreg [dreg:$0x1];
	p0 =	sne.s32 s2, $0x0  }
0x48: {  	s3 =	rddreg [dreg:$0x2];
	[bflag:$0x3] =	sbarrier.arrive $0xFFFF;
	s2 =	simm.s32 @!p0 $0x1C01  }
0x49: {  	[timem:s3], [sflag:s2] =	dma.local @!p0 [hbm:s0], s1  }
0x4a: {  	s0 =	simm.s32 @!p0 $0x1  }
0x4b: {  	_ =	swait.ge @!p0 [sflag:s0], s1  }
0x4c: {  	s1 =	ssub.s32 @!p0 $0x0, s1;
	[sflag:s0] =	ssyncset.done @!p0 $0x0  }
0x4d: {  	[sflag:s0] =	ssyncadd.s32 @!p0 s1  }
0x4e: {  	[bflag:$0x3] =	sbarrier.arrive $0xFFFF  }
0x4f: {  	_ =	shalt  }

</sc_bundles>
